<compile_context>
chip_gen: v7x
topology: tpu7x:2x2x1
jax: 0.10.2.dev20260603
libtpu: 0.0.44.dev20260713+nightly
codegen_flags: <defaults>
</compile_context>

<pallas_src>
import functools

import jax
import jax.numpy as jnp
from jax import lax
from jax.experimental import pallas as pl
from jax.experimental.pallas import tpu as pltpu
from jax.experimental.pallas import tpu_sc as plsc

N = 10000
E = 320000
D = 128

CB = 128
NCHUNK = E // CB
NWORKERS = 32
CPT = 81
NSLOT = 3
ROWS_PER_TILE = 624
TAIL_ROWS = N - 15 * ROWS_PER_TILE

_sc_mesh = plsc.VectorSubcoreMesh(core_axis_name="c", subcore_axis_name="s")


@functools.partial(
    pl.kernel,
    out_type=(
        jax.ShapeDtypeStruct((2, N, D), jnp.float32),
        jax.ShapeDtypeStruct((E, D), jnp.float32),
    ),
    mesh=_sc_mesh,
    scratch_types=[
        pltpu.VMEM((NSLOT, CB), jnp.int32),
        pltpu.VMEM((NSLOT, CB, D), jnp.float32),
        pltpu.VMEM_SHARED((N, D), jnp.float32),
        pltpu.SemaphoreType.DMA,
        pltpu.SemaphoreType.DMA,
        pltpu.SemaphoreType.DMA,
        pltpu.SemaphoreType.DMA,
        pltpu.SemaphoreType.DMA,
        pltpu.SemaphoreType.DMA,
    ],
)
def _sc_scatter(ef_hbm, dst_hbm, out_hbm, ecopy_hbm, idx_v, ebuf, acc,
                dsem0, dsem1, dsem2, wsem0, wsem1, wsem2):
    cid = lax.axis_index("c")
    sid = lax.axis_index("s")
    w = cid * 16 + sid
    dsems = (dsem0, dsem1, dsem2)
    wsems = (wsem0, wsem1, wsem2)

    def chunk_of(k):
        return w + NWORKERS * k

    def start_dma(k, slot):
        c = chunk_of(k)

        @pl.when(c < NCHUNK)
        def _():
            pltpu.make_async_copy(
                dst_hbm.at[pl.ds(c * CB, CB)], idx_v.at[slot], dsems[slot]
            ).start()
            pltpu.make_async_copy(
                ef_hbm.at[pl.ds(c * CB, CB)], ebuf.at[slot], dsems[slot]
            ).start()

    def wait_dma(k, slot):
        c = chunk_of(k)

        @pl.when(c < NCHUNK)
        def _():
            pltpu.make_async_copy(
                dst_hbm.at[pl.ds(c * CB, CB)], idx_v.at[slot], dsems[slot]
            ).wait()
            pltpu.make_async_copy(
                ef_hbm.at[pl.ds(c * CB, CB)], ebuf.at[slot], dsems[slot]
            ).wait()

    def scatter(k, slot):
        c = chunk_of(k)

        @pl.when(c < NCHUNK)
        def _():
            pltpu.sync_copy(ebuf.at[slot], acc.at[idx_v.at[slot]], add=True)

    def start_wb(k, slot):
        c = chunk_of(k)

        @pl.when(c < NCHUNK)
        def _():
            pltpu.make_async_copy(
                ebuf.at[slot], ecopy_hbm.at[pl.ds(c * CB, CB)], wsems[slot]
            ).start()

    def wait_wb(k, slot):
        c = chunk_of(k)

        @pl.when((k >= 0) & (c < NCHUNK))
        def _():
            pltpu.make_async_copy(
                ebuf.at[slot], ecopy_hbm.at[pl.ds(c * CB, CB)], wsems[slot]
            ).wait()

    start_dma(0, 0)
    start_dma(1, 1)

    zvec = jnp.zeros((16,), jnp.float32)

    def zrow(r, carry):
        for d8 in range(D // 16):
            ebuf[2, r, pl.ds(d8 * 16, 16)] = zvec
        return carry

    lax.fori_loop(0, CB, zrow, 0)

    for q in range(4):
        pltpu.sync_copy(
            ebuf.at[2], acc.at[pl.ds(sid * ROWS_PER_TILE + q * CB, CB)]
        )

    @pl.when(sid < 15)
    def _():
        pltpu.sync_copy(
            ebuf.at[2, pl.ds(0, ROWS_PER_TILE - 4 * CB)],
            acc.at[pl.ds(sid * ROWS_PER_TILE + 4 * CB, ROWS_PER_TILE - 4 * CB)],
        )

    @pl.when(sid == 15)
    def _():
        pltpu.sync_copy(
            ebuf.at[2], acc.at[pl.ds(15 * ROWS_PER_TILE + 4 * CB, CB)]
        )

    plsc.subcore_barrier()

    def group_body(i, carry):
        for u in range(NSLOT):
            k = NSLOT * i + u
            wait_dma(k, u)
            scatter(k, u)
            start_wb(k, u)
            wait_wb(k - 1, (u + 2) % NSLOT)
            start_dma(k + 2, (u + 2) % NSLOT)
        return carry

    lax.fori_loop(0, CPT // NSLOT, group_body, 0)

    wait_wb(CPT - 1, (CPT - 1) % NSLOT)

    plsc.subcore_barrier()

    @pl.when(sid < 15)
    def _():
        pltpu.sync_copy(
            acc.at[pl.ds(sid * ROWS_PER_TILE, ROWS_PER_TILE)],
            out_hbm.at[cid, pl.ds(sid * ROWS_PER_TILE, ROWS_PER_TILE)],
        )

    @pl.when(sid == 15)
    def _():
        pltpu.sync_copy(
            acc.at[pl.ds(15 * ROWS_PER_TILE, TAIL_ROWS)],
            out_hbm.at[cid, pl.ds(15 * ROWS_PER_TILE, TAIL_ROWS)],
        )


BR = 2000


def _mlp_body(parts_ref, nfeat_ref, w1_ref, b1_ref, w2_ref, b2_ref, g_ref,
              bt_ref, out_ref):
    agg = parts_ref[0] + parts_ref[1]
    x = nfeat_ref[...]
    h = (
        jnp.dot(agg, w1_ref[:D, :], preferred_element_type=jnp.float32)
        + jnp.dot(x, w1_ref[D:, :], preferred_element_type=jnp.float32)
        + b1_ref[...]
    )
    h = h * jax.nn.sigmoid(h)
    h = jnp.dot(h, w2_ref[...], preferred_element_type=jnp.float32) + b2_ref[...]
    mean = jnp.mean(h, axis=-1, keepdims=True)
    var = jnp.mean((h - mean) * (h - mean), axis=-1, keepdims=True)
    h = (h - mean) * jax.lax.rsqrt(var + 1e-5) * g_ref[...] + bt_ref[...]
    out_ref[...] = h + x


def _mlp(parts, nfeat, W1, b1, W2, b2, gamma, beta):
    grid = N // BR
    return pl.pallas_call(
        _mlp_body,
        grid=(grid,),
        in_specs=[
            pl.BlockSpec((2, BR, D), lambda i: (0, i, 0)),
            pl.BlockSpec((BR, D), lambda i: (i, 0)),
            pl.BlockSpec((2 * D, D), lambda i: (0, 0)),
            pl.BlockSpec((1, D), lambda i: (0, 0)),
            pl.BlockSpec((D, D), lambda i: (0, 0)),
            pl.BlockSpec((1, D), lambda i: (0, 0)),
            pl.BlockSpec((1, D), lambda i: (0, 0)),
            pl.BlockSpec((1, D), lambda i: (0, 0)),
        ],
        out_specs=pl.BlockSpec((BR, D), lambda i: (i, 0)),
        out_shape=jax.ShapeDtypeStruct((N, D), jnp.float32),
    )(parts, nfeat, W1, b1.reshape(1, D), W2, b2.reshape(1, D),
      gamma.reshape(1, D), beta.reshape(1, D))


def kernel(efeat, nfeat, dst_idx, W1, b1, W2, b2, gamma, beta):
    parts, efeat_out = _sc_scatter(efeat, dst_idx)
    nfeat_new = _mlp(parts, nfeat, W1, b1, W2, b2, gamma, beta)
    return (efeat_out, nfeat_new)

# --- scband reference (transcript-rebuilt; emitter-appended) ---
"""Pipeline reference for scband-node-block-cugo-31705448579495 (READ-ONLY COPY).

The authoritative reference and input builder live on the scoring server;
editing this copy changes nothing except your own understanding.
"""

import jax, jax.numpy as jnp
import numpy as np

N = 10000
E = 320000
D_NODE = 128
D_EDGE = 128
HIDDEN = 128
OUT = 128


def setup_inputs(seed: int = 0) -> dict:
    key = jax.random.key(seed)
    k1, k2, k3, k4, k5, k6, k7 = jax.random.split(key, 7)
    efeat = jax.random.normal(k1, (E, D_EDGE), dtype=jnp.float32)
    nfeat = jax.random.normal(k2, (N, D_NODE), dtype=jnp.float32)
    # CSC graph: edges sorted by destination node
    dst_idx = jnp.sort(jax.random.randint(k3, (E,), 0, N, dtype=jnp.int32))
    # MLP params (stored [in, out]): Linear(D_NODE+D_EDGE -> HIDDEN), SiLU, Linear(HIDDEN -> OUT), LayerNorm(OUT)
    W1 = jax.random.normal(k4, (D_NODE + D_EDGE, HIDDEN), dtype=jnp.float32) * 0.05
    b1 = jnp.zeros((HIDDEN,), dtype=jnp.float32)
    W2 = jax.random.normal(k5, (HIDDEN, OUT), dtype=jnp.float32) * 0.05
    b2 = jnp.zeros((OUT,), dtype=jnp.float32)
    gamma = jnp.ones((OUT,), dtype=jnp.float32)
    beta = jnp.zeros((OUT,), dtype=jnp.float32)
    return {"efeat": efeat, "nfeat": nfeat, "dst_idx": dst_idx,
            "W1": W1, "b1": b1, "W2": W2, "b2": b2,
            "gamma": gamma, "beta": beta}


def reference(efeat, nfeat, dst_idx, W1, b1, W2, b2, gamma, beta):
    # agg_concat_e2n: scatter-sum edge features onto destination nodes, concat with node features
    agg_efeat = jax.ops.segment_sum(efeat, dst_idx, num_segments=N)
    cat_feat = jnp.concatenate([agg_efeat, nfeat], axis=-1)
    # node MLP: Linear -> SiLU -> Linear -> LayerNorm
    h = cat_feat @ W1 + b1
    h = jax.nn.silu(h)
    h = h @ W2 + b2
    mean = jnp.mean(h, axis=-1, keepdims=True)
    var = jnp.var(h, axis=-1, keepdims=True)
    h = (h - mean) / jnp.sqrt(var + 1e-5) * gamma + beta
    nfeat_new = h + nfeat  # residual
    return (efeat, nfeat_new)

if __name__ == "__main__":
    import jax
    _d = setup_inputs()
    print(jax.jit(kernel)(*tuple(_d.values())))

</pallas_src>

<mosaic_0001>
#map = affine_map<(d0, d1) -> (0, 0)>
#map1 = affine_map<(d0, d1) -> (0)>
#map2 = affine_map<(d0, d1) -> (0, 0, 0)>
module attributes {stable_mosaic.version = 14 : i64} {
  func.func @_sc_scatter(%arg0: i32, %arg1: i32, %arg2: memref<320000x128xf32, #tpu.memory_space<hbm>>, %arg3: memref<320000xi32, #tpu.memory_space<hbm>>, %arg4: memref<2x10000x128xf32, #tpu.memory_space<hbm>>, %arg5: memref<320000x128xf32, #tpu.memory_space<hbm>>, %arg6: memref<3x128xi32, #tpu.memory_space<vmem>>, %arg7: memref<3x128x128xf32, #tpu.memory_space<vmem>>, %arg8: memref<10000x128xf32, #tpu.memory_space<vmem_shared>>, %arg9: memref<!tpu.dma_semaphore, #tpu.memory_space<semaphore_mem>>, %arg10: memref<!tpu.dma_semaphore, #tpu.memory_space<semaphore_mem>>, %arg11: memref<!tpu.dma_semaphore, #tpu.memory_space<semaphore_mem>>, %arg12: memref<!tpu.dma_semaphore, #tpu.memory_space<semaphore_mem>>, %arg13: memref<!tpu.dma_semaphore, #tpu.memory_space<semaphore_mem>>, %arg14: memref<!tpu.dma_semaphore, #tpu.memory_space<semaphore_mem>>) attributes {dimension_semantics = [#tpu.dimension_semantics<core_parallel>, #tpu.dimension_semantics<subcore_parallel>], iteration_bounds = array<i64: 2, 16>, scalar_prefetch = 0 : i64, scratch_operands = 9 : i64, tpu.core_type = #tpu.core_type<sc_vector_subcore>, window_params = [{transform_indices = #map}, {transform_indices = #map1}, {transform_indices = #map2}, {transform_indices = #map}]} {
    %mul3A = arith.constant 16 : i32
    %mul3A_0 = arith.muli %arg0, %mul3A : i32
    %add3A = arith.addi %mul3A_0, %arg1 : i32
    %add3A_1 = arith.constant 0 : i32
    %add3A_2 = arith.addi %add3A, %add3A_1 : i32
    %lt3A = arith.constant 2500 : i32
    %lt3A_3 = arith.cmpi slt, %add3A_2, %lt3A : i32
    %convert_element_type3A = arith.extui %lt3A_3 : i1 to i32
    %cond3A = arith.constant 0 : i32
    %cond3A_4 = arith.cmpi ne, %convert_element_type3A, %cond3A : i32
    scf.if %cond3A_4 {
      %mul3A_71 = arith.constant 128 : i32
      %mul3A_72 = arith.muli %add3A_2, %mul3A_71 : i32
      %dma_start3A = arith.constant 0 : i32
      %dma_start3A_73 = arith.constant 0 : i32
      %dma_start3A_74 = tpu.memref_slice %arg6[%dma_start3A, %dma_start3A_73] : memref<3x128xi32, #tpu.memory_space<vmem>> -> memref<1x128xi32, #tpu.memory_space<vmem>>
      %dma_start3A_75 = tpu.memref_squeeze %dma_start3A_74 : memref<1x128xi32, #tpu.memory_space<vmem>> -> memref<128xi32, #tpu.memory_space<vmem>>
      %dma_start3A_76 = tpu.memref_slice %arg3[%mul3A_72] : memref<320000xi32, #tpu.memory_space<hbm>> -> memref<128xi32, #tpu.memory_space<hbm>>
      %dma_start3A_77 = arith.constant 0 : i32
      %dma_start3A_78 = tpu.memref_slice %arg6[%dma_start3A, %dma_start3A_77] : memref<3x128xi32, #tpu.memory_space<vmem>> -> memref<1x128xi32, #tpu.memory_space<vmem>>
      %dma_start3A_79 = tpu.memref_squeeze %dma_start3A_78 : memref<1x128xi32, #tpu.memory_space<vmem>> -> memref<128xi32, #tpu.memory_space<vmem>>
      %dma_start3A_80 = tpu.memref_slice %arg3[%mul3A_72] : memref<320000xi32, #tpu.memory_space<hbm>> -> memref<128xi32, #tpu.memory_space<hbm>>
      tpu.enqueue_dma source(%dma_start3A_80 : memref<128xi32, #tpu.memory_space<hbm>>) target(%dma_start3A_79 : memref<128xi32, #tpu.memory_space<vmem>>) target_semaphore(%arg9 : memref<!tpu.dma_semaphore, #tpu.memory_space<semaphore_mem>>)
      %mul3A_81 = arith.constant 128 : i32
      %mul3A_82 = arith.muli %add3A_2, %mul3A_81 : i32
      %dma_start3A_83 = arith.constant 0 : i32
      %dma_start3A_84 = arith.constant 0 : i32
      %dma_start3A_85 = arith.constant 0 : i32
      %dma_start3A_86 = tpu.memref_slice %arg7[%dma_start3A_83, %dma_start3A_84, %dma_start3A_85] : memref<3x128x128xf32, #tpu.memory_space<vmem>> -> memref<1x128x128xf32, #tpu.memory_space<vmem>>
      %dma_start3A_87 = tpu.memref_squeeze %dma_start3A_86 : memref<1x128x128xf32, #tpu.memory_space<vmem>> -> memref<128x128xf32, #tpu.memory_space<vmem>>
      %dma_start3A_88 = arith.constant 0 : i32
      %dma_start3A_89 = tpu.memref_slice %arg2[%mul3A_82, %dma_start3A_88] : memref<320000x128xf32, #tpu.memory_space<hbm>> -> memref<128x128xf32, #tpu.memory_space<hbm>>
      %dma_start3A_90 = arith.constant 0 : i32
      %dma_start3A_91 = arith.constant 0 : i32
      %dma_start3A_92 = tpu.memref_slice %arg7[%dma_start3A_83, %dma_start3A_90, %dma_start3A_91] : memref<3x128x128xf32, #tpu.memory_space<vmem>> -> memref<1x128x128xf32, #tpu.memory_space<vmem>>
      %dma_start3A_93 = tpu.memref_squeeze %dma_start3A_92 : memref<1x128x128xf32, #tpu.memory_space<vmem>> -> memref<128x128xf32, #tpu.memory_space<vmem>>
      %dma_start3A_94 = arith.constant 0 : i32
      %dma_start3A_95 = tpu.memref_slice %arg2[%mul3A_82, %dma_start3A_94] : memref<320000x128xf32, #tpu.memory_space<hbm>> -> memref<128x128xf32, #tpu.memory_space<hbm>>
      tpu.enqueue_dma source(%dma_start3A_95 : memref<128x128xf32, #tpu.memory_space<hbm>>) target(%dma_start3A_93 : memref<128x128xf32, #tpu.memory_space<vmem>>) target_semaphore(%arg9 : memref<!tpu.dma_semaphore, #tpu.memory_space<semaphore_mem>>)
    } else {
    }
    %add3A_5 = arith.constant 32 : i32
    %add3A_6 = arith.addi %add3A, %add3A_5 : i32
    %lt3A_7 = arith.constant 2500 : i32
    %lt3A_8 = arith.cmpi slt, %add3A_6, %lt3A_7 : i32
    %convert_element_type3A_9 = arith.extui %lt3A_8 : i1 to i32
    %cond3A_10 = arith.constant 0 : i32
    %cond3A_11 = arith.cmpi ne, %convert_element_type3A_9, %cond3A_10 : i32
    scf.if %cond3A_11 {
      %mul3A_71 = arith.constant 128 : i32
      %mul3A_72 = arith.muli %add3A_6, %mul3A_71 : i32
      %dma_start3A = arith.constant 1 : i32
      %dma_start3A_73 = arith.constant 0 : i32
      %dma_start3A_74 = tpu.memref_slice %arg6[%dma_start3A, %dma_start3A_73] : memref<3x128xi32, #tpu.memory_space<vmem>> -> memref<1x128xi32, #tpu.memory_space<vmem>>
      %dma_start3A_75 = tpu.memref_squeeze %dma_start3A_74 : memref<1x128xi32, #tpu.memory_space<vmem>> -> memref<128xi32, #tpu.memory_space<vmem>>
      %dma_start3A_76 = tpu.memref_slice %arg3[%mul3A_72] : memref<320000xi32, #tpu.memory_space<hbm>> -> memref<128xi32, #tpu.memory_space<hbm>>
      %dma_start3A_77 = arith.constant 0 : i32
      %dma_start3A_78 = tpu.memref_slice %arg6[%dma_start3A, %dma_start3A_77] : memref<3x128xi32, #tpu.memory_space<vmem>> -> memref<1x128xi32, #tpu.memory_space<vmem>>
      %dma_start3A_79 = tpu.memref_squeeze %dma_start3A_78 : memref<1x128xi32, #tpu.memory_space<vmem>> -> memref<128xi32, #tpu.memory_space<vmem>>
      %dma_start3A_80 = tpu.memref_slice %arg3[%mul3A_72] : memref<320000xi32, #tpu.memory_space<hbm>> -> memref<128xi32, #tpu.memory_space<hbm>>
      tpu.enqueue_dma source(%dma_start3A_80 : memref<128xi32, #tpu.memory_space<hbm>>) target(%dma_start3A_79 : memref<128xi32, #tpu.memory_space<vmem>>) target_semaphore(%arg10 : memref<!tpu.dma_semaphore, #tpu.memory_space<semaphore_mem>>)
      %mul3A_81 = arith.constant 128 : i32
      %mul3A_82 = arith.muli %add3A_6, %mul3A_81 : i32
      %dma_start3A_83 = arith.constant 1 : i32
      %dma_start3A_84 = arith.constant 0 : i32
      %dma_start3A_85 = arith.constant 0 : i32
      %dma_start3A_86 = tpu.memref_slice %arg7[%dma_start3A_83, %dma_start3A_84, %dma_start3A_85] : memref<3x128x128xf32, #tpu.memory_space<vmem>> -> memref<1x128x128xf32, #tpu.memory_space<vmem>>
      %dma_start3A_87 = tpu.memref_squeeze %dma_start3A_86 : memref<1x128x128xf32, #tpu.memory_space<vmem>> -> memref<128x128xf32, #tpu.memory_space<vmem>>
      %dma_start3A_88 = arith.constant 0 : i32
      %dma_start3A_89 = tpu.memref_slice %arg2[%mul3A_82, %dma_start3A_88] : memref<320000x128xf32, #tpu.memory_space<hbm>> -> memref<128x128xf32, #tpu.memory_space<hbm>>
      %dma_start3A_90 = arith.constant 0 : i32
      %dma_start3A_91 = arith.constant 0 : i32
      %dma_start3A_92 = tpu.memref_slice %arg7[%dma_start3A_83, %dma_start3A_90, %dma_start3A_91] : memref<3x128x128xf32, #tpu.memory_space<vmem>> -> memref<1x128x128xf32, #tpu.memory_space<vmem>>
      %dma_start3A_93 = tpu.memref_squeeze %dma_start3A_92 : memref<1x128x128xf32, #tpu.memory_space<vmem>> -> memref<128x128xf32, #tpu.memory_space<vmem>>
      %dma_start3A_94 = arith.constant 0 : i32
      %dma_start3A_95 = tpu.memref_slice %arg2[%mul3A_82, %dma_start3A_94] : memref<320000x128xf32, #tpu.memory_space<hbm>> -> memref<128x128xf32, #tpu.memory_space<hbm>>
      tpu.enqueue_dma source(%dma_start3A_95 : memref<128x128xf32, #tpu.memory_space<hbm>>) target(%dma_start3A_93 : memref<128x128xf32, #tpu.memory_space<vmem>>) target_semaphore(%arg10 : memref<!tpu.dma_semaphore, #tpu.memory_space<semaphore_mem>>)
    } else {
    }
    %broadcast_in_dim3A = arith.constant 0.000000e+00 : f32
    %broadcast_in_dim3A_12 = vector.broadcast %broadcast_in_dim3A : f32 to vector<16xf32>
    %scan3A = arith.constant 0 : i32
    %scan3A_13 = arith.constant 0 : i32
    %scan3A_14 = arith.constant 128 : i32
    %scan3A_15 = arith.addi %scan3A_13, %scan3A_14 : i32
    %scan3A_16 = arith.constant 1 : i32
    scf.for %scan3A_71 = %scan3A_13 to %scan3A_15 step %scan3A_16  : i32 {
      %swap3A = arith.constant 2 : i32
      %swap3A_72 = arith.index_cast %swap3A : i32 to index
      %swap3A_73 = arith.index_cast %scan3A_71 : i32 to index
      %swap3A_74 = arith.constant 0 : index
      %swap3A_75 = tpu.vector_load %arg7[%swap3A_72, %swap3A_73, %swap3A_74] {strides = array<i32>} : memref<3x128x128xf32, #tpu.memory_space<vmem>>, vector<1x1x16xf32>,
      %swap3A_76 = vector.shape_cast %swap3A_75 : vector<1x1x16xf32> to vector<16xf32>
      %swap3A_77 = vector.shape_cast %broadcast_in_dim3A_12 : vector<16xf32> to vector<1x1x16xf32>
      tpu.vector_store %arg7[%swap3A_72, %swap3A_73, %swap3A_74], %swap3A_77 {strides = array<i32>} : memref<3x128x128xf32, #tpu.memory_space<vmem>>, vector<1x1x16xf32>,
      %swap3A_78 = arith.constant 2 : i32
      %swap3A_79 = arith.index_cast %swap3A_78 : i32 to index
      %swap3A_80 = arith.index_cast %scan3A_71 : i32 to index
      %swap3A_81 = arith.constant 16 : index
      %swap3A_82 = tpu.vector_load %arg7[%swap3A_79, %swap3A_80, %swap3A_81] {strides = array<i32>} : memref<3x128x128xf32, #tpu.memory_space<vmem>>, vector<1x1x16xf32>,
      %swap3A_83 = vector.shape_cast %swap3A_82 : vector<1x1x16xf32> to vector<16xf32>
      %swap3A_84 = vector.shape_cast %broadcast_in_dim3A_12 : vector<16xf32> to vector<1x1x16xf32>
      tpu.vector_store %arg7[%swap3A_79, %swap3A_80, %swap3A_81], %swap3A_84 {strides = array<i32>} : memref<3x128x128xf32, #tpu.memory_space<vmem>>, vector<1x1x16xf32>,
      %swap3A_85 = arith.constant 2 : i32
      %swap3A_86 = arith.index_cast %swap3A_85 : i32 to index
      %swap3A_87 = arith.index_cast %scan3A_71 : i32 to index
      %swap3A_88 = arith.constant 32 : index
      %swap3A_89 = tpu.vector_load %arg7[%swap3A_86, %swap3A_87, %swap3A_88] {strides = array<i32>} : memref<3x128x128xf32, #tpu.memory_space<vmem>>, vector<1x1x16xf32>,
      %swap3A_90 = vector.shape_cast %swap3A_89 : vector<1x1x16xf32> to vector<16xf32>
      %swap3A_91 = vector.shape_cast %broadcast_in_dim3A_12 : vector<16xf32> to vector<1x1x16xf32>
      tpu.vector_store %arg7[%swap3A_86, %swap3A_87, %swap3A_88], %swap3A_91 {strides = array<i32>} : memref<3x128x128xf32, #tpu.memory_space<vmem>>, vector<1x1x16xf32>,
      %swap3A_92 = arith.constant 2 : i32
      %swap3A_93 = arith.index_cast %swap3A_92 : i32 to index
      %swap3A_94 = arith.index_cast %scan3A_71 : i32 to index
      %swap3A_95 = arith.constant 48 : index
      %swap3A_96 = tpu.vector_load %arg7[%swap3A_93, %swap3A_94, %swap3A_95] {strides = array<i32>} : memref<3x128x128xf32, #tpu.memory_space<vmem>>, vector<1x1x16xf32>,
      %swap3A_97 = vector.shape_cast %swap3A_96 : vector<1x1x16xf32> to vector<16xf32>
      %swap3A_98 = vector.shape_cast %broadcast_in_dim3A_12 : vector<16xf32> to vector<1x1x16xf32>
      tpu.vector_store %arg7[%swap3A_93, %swap3A_94, %swap3A_95], %swap3A_98 {strides = array<i32>} : memref<3x128x128xf32, #tpu.memory_space<vmem>>, vector<1x1x16xf32>,
      %swap3A_99 = arith.constant 2 : i32
      %swap3A_100 = arith.index_cast %swap3A_99 : i32 to index
      %swap3A_101 = arith.index_cast %scan3A_71 : i32 to index
      %swap3A_102 = arith.constant 64 : index
      %swap3A_103 = tpu.vector_load %arg7[%swap3A_100, %swap3A_101, %swap3A_102] {strides = array<i32>} : memref<3x128x128xf32, #tpu.memory_space<vmem>>, vector<1x1x16xf32>,
      %swap3A_104 = vector.shape_cast %swap3A_103 : vector<1x1x16xf32> to vector<16xf32>
      %swap3A_105 = vector.shape_cast %broadcast_in_dim3A_12 : vector<16xf32> to vector<1x1x16xf32>
      tpu.vector_store %arg7[%swap3A_100, %swap3A_101, %swap3A_102], %swap3A_105 {strides = array<i32>} : memref<3x128x128xf32, #tpu.memory_space<vmem>>, vector<1x1x16xf32>,
      %swap3A_106 = arith.constant 2 : i32
      %swap3A_107 = arith.index_cast %swap3A_106 : i32 to index
      %swap3A_108 = arith.index_cast %scan3A_71 : i32 to index
      %swap3A_109 = arith.constant 80 : index
      %swap3A_110 = tpu.vector_load %arg7[%swap3A_107, %swap3A_108, %swap3A_109] {strides = array<i32>} : memref<3x128x128xf32, #tpu.memory_space<vmem>>, vector<1x1x16xf32>,
      %swap3A_111 = vector.shape_cast %swap3A_110 : vector<1x1x16xf32> to vector<16xf32>
      %swap3A_112 = vector.shape_cast %broadcast_in_dim3A_12 : vector<16xf32> to vector<1x1x16xf32>
      tpu.vector_store %arg7[%swap3A_107, %swap3A_108, %swap3A_109], %swap3A_112 {strides = array<i32>} : memref<3x128x128xf32, #tpu.memory_space<vmem>>, vector<1x1x16xf32>,
      %swap3A_113 = arith.constant 2 : i32
      %swap3A_114 = arith.index_cast %swap3A_113 : i32 to index
      %swap3A_115 = arith.index_cast %scan3A_71 : i32 to index
      %swap3A_116 = arith.constant 96 : index
      %swap3A_117 = tpu.vector_load %arg7[%swap3A_114, %swap3A_115, %swap3A_116] {strides = array<i32>} : memref<3x128x128xf32, #tpu.memory_space<vmem>>, vector<1x1x16xf32>,
      %swap3A_118 = vector.shape_cast %swap3A_117 : vector<1x1x16xf32> to vector<16xf32>
      %swap3A_119 = vector.shape_cast %broadcast_in_dim3A_12 : vector<16xf32> to vector<1x1x16xf32>
      tpu.vector_store %arg7[%swap3A_114, %swap3A_115, %swap3A_116], %swap3A_119 {strides = array<i32>} : memref<3x128x128xf32, #tpu.memory_space<vmem>>, vector<1x1x16xf32>,
      %swap3A_120 = arith.constant 2 : i32
      %swap3A_121 = arith.index_cast %swap3A_120 : i32 to index
      %swap3A_122 = arith.index_cast %scan3A_71 : i32 to index
      %swap3A_123 = arith.constant 112 : index
      %swap3A_124 = tpu.vector_load %arg7[%swap3A_121, %swap3A_122, %swap3A_123] {strides = array<i32>} : memref<3x128x128xf32, #tpu.memory_space<vmem>>, vector<1x1x16xf32>,
      %swap3A_125 = vector.shape_cast %swap3A_124 : vector<1x1x16xf32> to vector<16xf32>
      %swap3A_126 = vector.shape_cast %broadcast_in_dim3A_12 : vector<16xf32> to vector<1x1x16xf32>
      tpu.vector_store %arg7[%swap3A_121, %swap3A_122, %swap3A_123], %swap3A_126 {strides = array<i32>} : memref<3x128x128xf32, #tpu.memory_space<vmem>>, vector<1x1x16xf32>,
    }
    %scan3A_17 = arith.constant 128 : i32
    %mul3A_18 = arith.constant 624 : i32
    %mul3A_19 = arith.muli %arg1, %mul3A_18 : i32
    %add3A_20 = arith.constant 0 : i32
    %add3A_21 = arith.addi %mul3A_19, %add3A_20 : i32
    %run_scoped3A = arith.constant 2 : i32
    "tpu.region"() ({
      %run_scoped3A_71 = tpu.sem_alloc : memref<!tpu.dma_semaphore, #tpu.memory_space<semaphore_mem>>
      %dma_start3A = arith.constant 0 : i32
      %dma_start3A_72 = arith.constant 0 : i32
      %dma_start3A_73 = tpu.memref_slice %arg7[%run_scoped3A, %dma_start3A, %dma_start3A_72] : memref<3x128x128xf32, #tpu.memory_space<vmem>> -> memref<1x128x128xf32, #tpu.memory_space<vmem>>
      %dma_start3A_74 = tpu.memref_squeeze %dma_start3A_73 : memref<1x128x128xf32, #tpu.memory_space<vmem>> -> memref<128x128xf32, #tpu.memory_space<vmem>>
      %dma_start3A_75 = arith.constant 0 : i32
      %dma_start3A_76 = tpu.memref_slice %arg8[%add3A_21, %dma_start3A_75] : memref<10000x128xf32, #tpu.memory_space<vmem_shared>> -> memref<128x128xf32, #tpu.memory_space<vmem_shared>>
      %dma_start3A_77 = arith.constant 0 : i32
      %dma_start3A_78 = tpu.memref_slice %arg8[%add3A_21, %dma_start3A_77] : memref<10000x128xf32, #tpu.memory_space<vmem_shared>> -> memref<128x128xf32, #tpu.memory_space<vmem_shared>>
      %dma_start3A_79 = arith.constant 0 : i32
      %dma_start3A_80 = arith.constant 0 : i32
      %dma_start3A_81 = tpu.memref_slice %arg7[%run_scoped3A, %dma_start3A_79, %dma_start3A_80] : memref<3x128x128xf32, #tpu.memory_space<vmem>> -> memref<1x128x128xf32, #tpu.memory_space<vmem>>
      %dma_start3A_82 = tpu.memref_squeeze %dma_start3A_81 : memref<1x128x128xf32, #tpu.memory_space<vmem>> -> memref<128x128xf32, #tpu.memory_space<vmem>>
      tpu.enqueue_dma source(%dma_start3A_82 : memref<128x128xf32, #tpu.memory_space<vmem>>) target(%dma_start3A_78 : memref<128x128xf32, #tpu.memory_space<vmem_shared>>) target_semaphore(%run_scoped3A_71 : memref<!tpu.dma_semaphore, #tpu.memory_space<semaphore_mem>>)
      %dma_wait3A = arith.constant 0 : i32
      %dma_wait3A_83 = arith.constant 0 : i32
      %dma_wait3A_84 = tpu.memref_slice %arg7[%run_scoped3A, %dma_wait3A, %dma_wait3A_83] : memref<3x128x128xf32, #tpu.memory_space<vmem>> -> memref<1x128x128xf32, #tpu.memory_space<vmem>>
      %dma_wait3A_85 = tpu.memref_squeeze %dma_wait3A_84 : memref<1x128x128xf32, #tpu.memory_space<vmem>> -> memref<128x128xf32, #tpu.memory_space<vmem>>
      %dma_wait3A_86 = arith.constant 0 : i32
      %dma_wait3A_87 = tpu.memref_slice %arg8[%add3A_21, %dma_wait3A_86] : memref<10000x128xf32, #tpu.memory_space<vmem_shared>> -> memref<128x128xf32, #tpu.memory_space<vmem_shared>>
      %dma_wait3A_88 = arith.constant 0 : i32
      %dma_wait3A_89 = tpu.memref_slice %arg8[%add3A_21, %dma_wait3A_88] : memref<10000x128xf32, #tpu.memory_space<vmem_shared>> -> memref<128x128xf32, #tpu.memory_space<vmem_shared>>
      %dma_wait3A_90 = arith.constant 0 : i32
      %dma_wait3A_91 = arith.constant 0 : i32
      %dma_wait3A_92 = tpu.memref_slice %arg7[%run_scoped3A, %dma_wait3A_90, %dma_wait3A_91] : memref<3x128x128xf32, #tpu.memory_space<vmem>> -> memref<1x128x128xf32, #tpu.memory_space<vmem>>
      %dma_wait3A_93 = tpu.memref_squeeze %dma_wait3A_92 : memref<1x128x128xf32, #tpu.memory_space<vmem>> -> memref<128x128xf32, #tpu.memory_space<vmem>>
      tpu.wait_dma2 semaphore(%run_scoped3A_71 : memref<!tpu.dma_semaphore, #tpu.memory_space<semaphore_mem>>) src(%dma_wait3A_93 : memref<128x128xf32, #tpu.memory_space<vmem>>) dst(%dma_wait3A_89 : memref<128x128xf32, #tpu.memory_space<vmem_shared>>)
      tpu.yield
    }) : () -> ()
    %mul3A_22 = arith.constant 624 : i32
    %mul3A_23 = arith.muli %arg1, %mul3A_22 : i32
    %add3A_24 = arith.constant 128 : i32
    %add3A_25 = arith.addi %mul3A_23, %add3A_24 : i32
    %run_scoped3A_26 = arith.constant 2 : i32
    "tpu.region"() ({
      %run_scoped3A_71 = tpu.sem_alloc : memref<!tpu.dma_semaphore, #tpu.memory_space<semaphore_mem>>
      %dma_start3A = arith.constant 0 : i32
      %dma_start3A_72 = arith.constant 0 : i32
      %dma_start3A_73 = tpu.memref_slice %arg7[%run_scoped3A_26, %dma_start3A, %dma_start3A_72] : memref<3x128x128xf32, #tpu.memory_space<vmem>> -> memref<1x128x128xf32, #tpu.memory_space<vmem>>
      %dma_start3A_74 = tpu.memref_squeeze %dma_start3A_73 : memref<1x128x128xf32, #tpu.memory_space<vmem>> -> memref<128x128xf32, #tpu.memory_space<vmem>>
      %dma_start3A_75 = arith.constant 0 : i32
      %dma_start3A_76 = tpu.memref_slice %arg8[%add3A_25, %dma_start3A_75] : memref<10000x128xf32, #tpu.memory_space<vmem_shared>> -> memref<128x128xf32, #tpu.memory_space<vmem_shared>>
      %dma_start3A_77 = arith.constant 0 : i32
      %dma_start3A_78 = tpu.memref_slice %arg8[%add3A_25, %dma_start3A_77] : memref<10000x128xf32, #tpu.memory_space<vmem_shared>> -> memref<128x128xf32, #tpu.memory_space<vmem_shared>>
      %dma_start3A_79 = arith.constant 0 : i32
      %dma_start3A_80 = arith.constant 0 : i32
      %dma_start3A_81 = tpu.memref_slice %arg7[%run_scoped3A_26, %dma_start3A_79, %dma_start3A_80] : memref<3x128x128xf32, #tpu.memory_space<vmem>> -> memref<1x128x128xf32, #tpu.memory_space<vmem>>
      %dma_start3A_82 = tpu.memref_squeeze %dma_start3A_81 : memref<1x128x128xf32, #tpu.memory_space<vmem>> -> memref<128x128xf32, #tpu.memory_space<vmem>>
      tpu.enqueue_dma source(%dma_start3A_82 : memref<128x128xf32, #tpu.memory_space<vmem>>) target(%dma_start3A_78 : memref<128x128xf32, #tpu.memory_space<vmem_shared>>) target_semaphore(%run_scoped3A_71 : memref<!tpu.dma_semaphore, #tpu.memory_space<semaphore_mem>>)
      %dma_wait3A = arith.constant 0 : i32
      %dma_wait3A_83 = arith.constant 0 : i32
      %dma_wait3A_84 = tpu.memref_slice %arg7[%run_scoped3A_26, %dma_wait3A, %dma_wait3A_83] : memref<3x128x128xf32, #tpu.memory_space<vmem>> -> memref<1x128x128xf32, #tpu.memory_space<vmem>>
      %dma_wait3A_85 = tpu.memref_squeeze %dma_wait3A_84 : memref<1x128x128xf32, #tpu.memory_space<vmem>> -> memref<128x128xf32, #tpu.memory_space<vmem>>
      %dma_wait3A_86 = arith.constant 0 : i32
      %dma_wait3A_87 = tpu.memref_slice %arg8[%add3A_25, %dma_wait3A_86] : memref<10000x128xf32, #tpu.memory_space<vmem_shared>> -> memref<128x128xf32, #tpu.memory_space<vmem_shared>>
      %dma_wait3A_88 = arith.constant 0 : i32
      %dma_wait3A_89 = tpu.memref_slice %arg8[%add3A_25, %dma_wait3A_88] : memref<10000x128xf32, #tpu.memory_space<vmem_shared>> -> memref<128x128xf32, #tpu.memory_space<vmem_shared>>
      %dma_wait3A_90 = arith.constant 0 : i32
      %dma_wait3A_91 = arith.constant 0 : i32
      %dma_wait3A_92 = tpu.memref_slice %arg7[%run_scoped3A_26, %dma_wait3A_90, %dma_wait3A_91] : memref<3x128x128xf32, #tpu.memory_space<vmem>> -> memref<1x128x128xf32, #tpu.memory_space<vmem>>
      %dma_wait3A_93 = tpu.memref_squeeze %dma_wait3A_92 : memref<1x128x128xf32, #tpu.memory_space<vmem>> -> memref<128x128xf32, #tpu.memory_space<vmem>>
      tpu.wait_dma2 semaphore(%run_scoped3A_71 : memref<!tpu.dma_semaphore, #tpu.memory_space<semaphore_mem>>) src(%dma_wait3A_93 : memref<128x128xf32, #tpu.memory_space<vmem>>) dst(%dma_wait3A_89 : memref<128x128xf32, #tpu.memory_space<vmem_shared>>)
      tpu.yield
    }) : () -> ()
    %mul3A_27 = arith.constant 624 : i32
    %mul3A_28 = arith.muli %arg1, %mul3A_27 : i32
    %add3A_29 = arith.constant 256 : i32
    %add3A_30 = arith.addi %mul3A_28, %add3A_29 : i32
    %run_scoped3A_31 = arith.constant 2 : i32
    "tpu.region"() ({
      %run_scoped3A_71 = tpu.sem_alloc : memref<!tpu.dma_semaphore, #tpu.memory_space<semaphore_mem>>
      %dma_start3A = arith.constant 0 : i32
      %dma_start3A_72 = arith.constant 0 : i32
      %dma_start3A_73 = tpu.memref_slice %arg7[%run_scoped3A_31, %dma_start3A, %dma_start3A_72] : memref<3x128x128xf32, #tpu.memory_space<vmem>> -> memref<1x128x128xf32, #tpu.memory_space<vmem>>
      %dma_start3A_74 = tpu.memref_squeeze %dma_start3A_73 : memref<1x128x128xf32, #tpu.memory_space<vmem>> -> memref<128x128xf32, #tpu.memory_space<vmem>>
      %dma_start3A_75 = arith.constant 0 : i32
      %dma_start3A_76 = tpu.memref_slice %arg8[%add3A_30, %dma_start3A_75] : memref<10000x128xf32, #tpu.memory_space<vmem_shared>> -> memref<128x128xf32, #tpu.memory_space<vmem_shared>>
      %dma_start3A_77 = arith.constant 0 : i32
      %dma_start3A_78 = tpu.memref_slice %arg8[%add3A_30, %dma_start3A_77] : memref<10000x128xf32, #tpu.memory_space<vmem_shared>> -> memref<128x128xf32, #tpu.memory_space<vmem_shared>>
      %dma_start3A_79 = arith.constant 0 : i32
      %dma_start3A_80 = arith.constant 0 : i32
      %dma_start3A_81 = tpu.memref_slice %arg7[%run_scoped3A_31, %dma_start3A_79, %dma_start3A_80] : memref<3x128x128xf32, #tpu.memory_space<vmem>> -> memref<1x128x128xf32, #tpu.memory_space<vmem>>
      %dma_start3A_82 = tpu.memref_squeeze %dma_start3A_81 : memref<1x128x128xf32, #tpu.memory_space<vmem>> -> memref<128x128xf32, #tpu.memory_space<vmem>>
      tpu.enqueue_dma source(%dma_start3A_82 : memref<128x128xf32, #tpu.memory_space<vmem>>) target(%dma_start3A_78 : memref<128x128xf32, #tpu.memory_space<vmem_shared>>) target_semaphore(%run_scoped3A_71 : memref<!tpu.dma_semaphore, #tpu.memory_space<semaphore_mem>>)
      %dma_wait3A = arith.constant 0 : i32
      %dma_wait3A_83 = arith.constant 0 : i32
      %dma_wait3A_84 = tpu.memref_slice %arg7[%run_scoped3A_31, %dma_wait3A, %dma_wait3A_83] : memref<3x128x128xf32, #tpu.memory_space<vmem>> -> memref<1x128x128xf32, #tpu.memory_space<vmem>>
      %dma_wait3A_85 = tpu.memref_squeeze %dma_wait3A_84 : memref<1x128x128xf32, #tpu.memory_space<vmem>> -> memref<128x128xf32, #tpu.memory_space<vmem>>
      %dma_wait3A_86 = arith.constant 0 : i32
      %dma_wait3A_87 = tpu.memref_slice %arg8[%add3A_30, %dma_wait3A_86] : memref<10000x128xf32, #tpu.memory_space<vmem_shared>> -> memref<128x128xf32, #tpu.memory_space<vmem_shared>>
      %dma_wait3A_88 = arith.constant 0 : i32
      %dma_wait3A_89 = tpu.memref_slice %arg8[%add3A_30, %dma_wait3A_88] : memref<10000x128xf32, #tpu.memory_space<vmem_shared>> -> memref<128x128xf32, #tpu.memory_space<vmem_shared>>
      %dma_wait3A_90 = arith.constant 0 : i32
      %dma_wait3A_91 = arith.constant 0 : i32
      %dma_wait3A_92 = tpu.memref_slice %arg7[%run_scoped3A_31, %dma_wait3A_90, %dma_wait3A_91] : memref<3x128x128xf32, #tpu.memory_space<vmem>> -> memref<1x128x128xf32, #tpu.memory_space<vmem>>
      %dma_wait3A_93 = tpu.memref_squeeze %dma_wait3A_92 : memref<1x128x128xf32, #tpu.memory_space<vmem>> -> memref<128x128xf32, #tpu.memory_space<vmem>>
      tpu.wait_dma2 semaphore(%run_scoped3A_71 : memref<!tpu.dma_semaphore, #tpu.memory_space<semaphore_mem>>) src(%dma_wait3A_93 : memref<128x128xf32, #tpu.memory_space<vmem>>) dst(%dma_wait3A_89 : memref<128x128xf32, #tpu.memory_space<vmem_shared>>)
      tpu.yield
    }) : () -> ()
    %mul3A_32 = arith.constant 624 : i32
    %mul3A_33 = arith.muli %arg1, %mul3A_32 : i32
    %add3A_34 = arith.constant 384 : i32
    %add3A_35 = arith.addi %mul3A_33, %add3A_34 : i32
    %run_scoped3A_36 = arith.constant 2 : i32
    "tpu.region"() ({
      %run_scoped3A_71 = tpu.sem_alloc : memref<!tpu.dma_semaphore, #tpu.memory_space<semaphore_mem>>
      %dma_start3A = arith.constant 0 : i32
      %dma_start3A_72 = arith.constant 0 : i32
      %dma_start3A_73 = tpu.memref_slice %arg7[%run_scoped3A_36, %dma_start3A, %dma_start3A_72] : memref<3x128x128xf32, #tpu.memory_space<vmem>> -> memref<1x128x128xf32, #tpu.memory_space<vmem>>
      %dma_start3A_74 = tpu.memref_squeeze %dma_start3A_73 : memref<1x128x128xf32, #tpu.memory_space<vmem>> -> memref<128x128xf32, #tpu.memory_space<vmem>>
      %dma_start3A_75 = arith.constant 0 : i32
      %dma_start3A_76 = tpu.memref_slice %arg8[%add3A_35, %dma_start3A_75] : memref<10000x128xf32, #tpu.memory_space<vmem_shared>> -> memref<128x128xf32, #tpu.memory_space<vmem_shared>>
      %dma_start3A_77 = arith.constant 0 : i32
      %dma_start3A_78 = tpu.memref_slice %arg8[%add3A_35, %dma_start3A_77] : memref<10000x128xf32, #tpu.memory_space<vmem_shared>> -> memref<128x128xf32, #tpu.memory_space<vmem_shared>>
      %dma_start3A_79 = arith.constant 0 : i32
      %dma_start3A_80 = arith.constant 0 : i32
      %dma_start3A_81 = tpu.memref_slice %arg7[%run_scoped3A_36, %dma_start3A_79, %dma_start3A_80] : memref<3x128x128xf32, #tpu.memory_space<vmem>> -> memref<1x128x128xf32, #tpu.memory_space<vmem>>
      %dma_start3A_82 = tpu.memref_squeeze %dma_start3A_81 : memref<1x128x128xf32, #tpu.memory_space<vmem>> -> memref<128x128xf32, #tpu.memory_space<vmem>>
      tpu.enqueue_dma source(%dma_start3A_82 : memref<128x128xf32, #tpu.memory_space<vmem>>) target(%dma_start3A_78 : memref<128x128xf32, #tpu.memory_space<vmem_shared>>) target_semaphore(%run_scoped3A_71 : memref<!tpu.dma_semaphore, #tpu.memory_space<semaphore_mem>>)
      %dma_wait3A = arith.constant 0 : i32
      %dma_wait3A_83 = arith.constant 0 : i32
      %dma_wait3A_84 = tpu.memref_slice %arg7[%run_scoped3A_36, %dma_wait3A, %dma_wait3A_83] : memref<3x128x128xf32, #tpu.memory_space<vmem>> -> memref<1x128x128xf32, #tpu.memory_space<vmem>>
      %dma_wait3A_85 = tpu.memref_squeeze %dma_wait3A_84 : memref<1x128x128xf32, #tpu.memory_space<vmem>> -> memref<128x128xf32, #tpu.memory_space<vmem>>
      %dma_wait3A_86 = arith.constant 0 : i32
      %dma_wait3A_87 = tpu.memref_slice %arg8[%add3A_35, %dma_wait3A_86] : memref<10000x128xf32, #tpu.memory_space<vmem_shared>> -> memref<128x128xf32, #tpu.memory_space<vmem_shared>>
      %dma_wait3A_88 = arith.constant 0 : i32
      %dma_wait3A_89 = tpu.memref_slice %arg8[%add3A_35, %dma_wait3A_88] : memref<10000x128xf32, #tpu.memory_space<vmem_shared>> -> memref<128x128xf32, #tpu.memory_space<vmem_shared>>
      %dma_wait3A_90 = arith.constant 0 : i32
      %dma_wait3A_91 = arith.constant 0 : i32
      %dma_wait3A_92 = tpu.memref_slice %arg7[%run_scoped3A_36, %dma_wait3A_90, %dma_wait3A_91] : memref<3x128x128xf32, #tpu.memory_space<vmem>> -> memref<1x128x128xf32, #tpu.memory_space<vmem>>
      %dma_wait3A_93 = tpu.memref_squeeze %dma_wait3A_92 : memref<1x128x128xf32, #tpu.memory_space<vmem>> -> memref<128x128xf32, #tpu.memory_space<vmem>>
      tpu.wait_dma2 semaphore(%run_scoped3A_71 : memref<!tpu.dma_semaphore, #tpu.memory_space<semaphore_mem>>) src(%dma_wait3A_93 : memref<128x128xf32, #tpu.memory_space<vmem>>) dst(%dma_wait3A_89 : memref<128x128xf32, #tpu.memory_space<vmem_shared>>)
      tpu.yield
    }) : () -> ()
    %lt3A_37 = arith.constant 15 : i32
    %lt3A_38 = arith.cmpi slt, %arg1, %lt3A_37 : i32
    %convert_element_type3A_39 = arith.extui %lt3A_38 : i1 to i32
    %cond3A_40 = arith.constant 0 : i32
    %cond3A_41 = arith.cmpi ne, %convert_element_type3A_39, %cond3A_40 : i32
    scf.if %cond3A_41 {
      %mul3A_71 = arith.constant 624 : i32
      %mul3A_72 = arith.muli %arg1, %mul3A_71 : i32
      %add3A_73 = arith.constant 512 : i32
      %add3A_74 = arith.addi %mul3A_72, %add3A_73 : i32
      %run_scoped3A_75 = arith.constant 2 : i32
      "tpu.region"() ({
        %run_scoped3A_76 = tpu.sem_alloc : memref<!tpu.dma_semaphore, #tpu.memory_space<semaphore_mem>>
        %dma_start3A = arith.constant 0 : i32
        %dma_start3A_77 = arith.constant 0 : i32
        %dma_start3A_78 = tpu.memref_slice %arg7[%run_scoped3A_75, %dma_start3A, %dma_start3A_77] : memref<3x128x128xf32, #tpu.memory_space<vmem>> -> memref<1x112x128xf32, #tpu.memory_space<vmem>>
        %dma_start3A_79 = tpu.memref_squeeze %dma_start3A_78 : memref<1x112x128xf32, #tpu.memory_space<vmem>> -> memref<112x128xf32, #tpu.memory_space<vmem>>
        %dma_start3A_80 = arith.constant 0 : i32
        %dma_start3A_81 = tpu.memref_slice %arg8[%add3A_74, %dma_start3A_80] : memref<10000x128xf32, #tpu.memory_space<vmem_shared>> -> memref<112x128xf32, #tpu.memory_space<vmem_shared>>
        %dma_start3A_82 = arith.constant 0 : i32
        %dma_start3A_83 = tpu.memref_slice %arg8[%add3A_74, %dma_start3A_82] : memref<10000x128xf32, #tpu.memory_space<vmem_shared>> -> memref<112x128xf32, #tpu.memory_space<vmem_shared>>
        %dma_start3A_84 = arith.constant 0 : i32
        %dma_start3A_85 = arith.constant 0 : i32
        %dma_start3A_86 = tpu.memref_slice %arg7[%run_scoped3A_75, %dma_start3A_84, %dma_start3A_85] : memref<3x128x128xf32, #tpu.memory_space<vmem>> -> memref<1x112x128xf32, #tpu.memory_space<vmem>>
        %dma_start3A_87 = tpu.memref_squeeze %dma_start3A_86 : memref<1x112x128xf32, #tpu.memory_space<vmem>> -> memref<112x128xf32, #tpu.memory_space<vmem>>
        tpu.enqueue_dma source(%dma_start3A_87 : memref<112x128xf32, #tpu.memory_space<vmem>>) target(%dma_start3A_83 : memref<112x128xf32, #tpu.memory_space<vmem_shared>>) target_semaphore(%run_scoped3A_76 : memref<!tpu.dma_semaphore, #tpu.memory_space<semaphore_mem>>)
        %dma_wait3A = arith.constant 0 : i32
        %dma_wait3A_88 = arith.constant 0 : i32
        %dma_wait3A_89 = tpu.memref_slice %arg7[%run_scoped3A_75, %dma_wait3A, %dma_wait3A_88] : memref<3x128x128xf32, #tpu.memory_space<vmem>> -> memref<1x112x128xf32, #tpu.memory_space<vmem>>
        %dma_wait3A_90 = tpu.memref_squeeze %dma_wait3A_89 : memref<1x112x128xf32, #tpu.memory_space<vmem>> -> memref<112x128xf32, #tpu.memory_space<vmem>>
        %dma_wait3A_91 = arith.constant 0 : i32
        %dma_wait3A_92 = tpu.memref_slice %arg8[%add3A_74, %dma_wait3A_91] : memref<10000x128xf32, #tpu.memory_space<vmem_shared>> -> memref<112x128xf32, #tpu.memory_space<vmem_shared>>
        %dma_wait3A_93 = arith.constant 0 : i32
        %dma_wait3A_94 = tpu.memref_slice %arg8[%add3A_74, %dma_wait3A_93] : memref<10000x128xf32, #tpu.memory_space<vmem_shared>> -> memref<112x128xf32, #tpu.memory_space<vmem_shared>>
        %dma_wait3A_95 = arith.constant 0 : i32
        %dma_wait3A_96 = arith.constant 0 : i32
        %dma_wait3A_97 = tpu.memref_slice %arg7[%run_scoped3A_75, %dma_wait3A_95, %dma_wait3A_96] : memref<3x128x128xf32, #tpu.memory_space<vmem>> -> memref<1x112x128xf32, #tpu.memory_space<vmem>>
        %dma_wait3A_98 = tpu.memref_squeeze %dma_wait3A_97 : memref<1x112x128xf32, #tpu.memory_space<vmem>> -> memref<112x128xf32, #tpu.memory_space<vmem>>
        tpu.wait_dma2 semaphore(%run_scoped3A_76 : memref<!tpu.dma_semaphore, #tpu.memory_space<semaphore_mem>>) src(%dma_wait3A_98 : memref<112x128xf32, #tpu.memory_space<vmem>>) dst(%dma_wait3A_94 : memref<112x128xf32, #tpu.memory_space<vmem_shared>>)
        tpu.yield
      }) : () -> ()
    } else {
    }
    %eq3A = arith.constant 15 : i32
    %eq3A_42 = arith.cmpi eq, %arg1, %eq3A : i32
    %convert_element_type3A_43 = arith.extui %eq3A_42 : i1 to i32
    %cond3A_44 = arith.constant 0 : i32
    %cond3A_45 = arith.cmpi ne, %convert_element_type3A_43, %cond3A_44 : i32
    scf.if %cond3A_45 {
      %run_scoped3A_71 = arith.constant 2 : i32
      "tpu.region"() ({
        %run_scoped3A_72 = tpu.sem_alloc : memref<!tpu.dma_semaphore, #tpu.memory_space<semaphore_mem>>
        %dma_start3A = arith.constant 0 : i32
        %dma_start3A_73 = arith.constant 0 : i32
        %dma_start3A_74 = tpu.memref_slice %arg7[%run_scoped3A_71, %dma_start3A, %dma_start3A_73] : memref<3x128x128xf32, #tpu.memory_space<vmem>> -> memref<1x128x128xf32, #tpu.memory_space<vmem>>
        %dma_start3A_75 = tpu.memref_squeeze %dma_start3A_74 : memref<1x128x128xf32, #tpu.memory_space<vmem>> -> memref<128x128xf32, #tpu.memory_space<vmem>>
        %dma_start3A_76 = arith.constant 9872 : i32
        %dma_start3A_77 = arith.constant 0 : i32
        %dma_start3A_78 = tpu.memref_slice %arg8[%dma_start3A_76, %dma_start3A_77] : memref<10000x128xf32, #tpu.memory_space<vmem_shared>> -> memref<128x128xf32, #tpu.memory_space<vmem_shared>>
        %dma_start3A_79 = arith.constant 9872 : i32
        %dma_start3A_80 = arith.constant 0 : i32
        %dma_start3A_81 = tpu.memref_slice %arg8[%dma_start3A_79, %dma_start3A_80] : memref<10000x128xf32, #tpu.memory_space<vmem_shared>> -> memref<128x128xf32, #tpu.memory_space<vmem_shared>>
        %dma_start3A_82 = arith.constant 0 : i32
        %dma_start3A_83 = arith.constant 0 : i32
        %dma_start3A_84 = tpu.memref_slice %arg7[%run_scoped3A_71, %dma_start3A_82, %dma_start3A_83] : memref<3x128x128xf32, #tpu.memory_space<vmem>> -> memref<1x128x128xf32, #tpu.memory_space<vmem>>
        %dma_start3A_85 = tpu.memref_squeeze %dma_start3A_84 : memref<1x128x128xf32, #tpu.memory_space<vmem>> -> memref<128x128xf32, #tpu.memory_space<vmem>>
        tpu.enqueue_dma source(%dma_start3A_85 : memref<128x128xf32, #tpu.memory_space<vmem>>) target(%dma_start3A_81 : memref<128x128xf32, #tpu.memory_space<vmem_shared>>) target_semaphore(%run_scoped3A_72 : memref<!tpu.dma_semaphore, #tpu.memory_space<semaphore_mem>>)
        %dma_wait3A = arith.constant 0 : i32
        %dma_wait3A_86 = arith.constant 0 : i32
        %dma_wait3A_87 = tpu.memref_slice %arg7[%run_scoped3A_71, %dma_wait3A, %dma_wait3A_86] : memref<3x128x128xf32, #tpu.memory_space<vmem>> -> memref<1x128x128xf32, #tpu.memory_space<vmem>>
        %dma_wait3A_88 = tpu.memref_squeeze %dma_wait3A_87 : memref<1x128x128xf32, #tpu.memory_space<vmem>> -> memref<128x128xf32, #tpu.memory_space<vmem>>
        %dma_wait3A_89 = arith.constant 9872 : i32
        %dma_wait3A_90 = arith.constant 0 : i32
        %dma_wait3A_91 = tpu.memref_slice %arg8[%dma_wait3A_89, %dma_wait3A_90] : memref<10000x128xf32, #tpu.memory_space<vmem_shared>> -> memref<128x128xf32, #tpu.memory_space<vmem_shared>>
        %dma_wait3A_92 = arith.constant 9872 : i32
        %dma_wait3A_93 = arith.constant 0 : i32
        %dma_wait3A_94 = tpu.memref_slice %arg8[%dma_wait3A_92, %dma_wait3A_93] : memref<10000x128xf32, #tpu.memory_space<vmem_shared>> -> memref<128x128xf32, #tpu.memory_space<vmem_shared>>
        %dma_wait3A_95 = arith.constant 0 : i32
        %dma_wait3A_96 = arith.constant 0 : i32
        %dma_wait3A_97 = tpu.memref_slice %arg7[%run_scoped3A_71, %dma_wait3A_95, %dma_wait3A_96] : memref<3x128x128xf32, #tpu.memory_space<vmem>> -> memref<1x128x128xf32, #tpu.memory_space<vmem>>
        %dma_wait3A_98 = tpu.memref_squeeze %dma_wait3A_97 : memref<1x128x128xf32, #tpu.memory_space<vmem>> -> memref<128x128xf32, #tpu.memory_space<vmem>>
        tpu.wait_dma2 semaphore(%run_scoped3A_72 : memref<!tpu.dma_semaphore, #tpu.memory_space<semaphore_mem>>) src(%dma_wait3A_98 : memref<128x128xf32, #tpu.memory_space<vmem>>) dst(%dma_wait3A_94 : memref<128x128xf32, #tpu.memory_space<vmem_shared>>)
        tpu.yield
      }) : () -> ()
    } else {
    }
    %barrier3A = arith.constant 0 : index
    tpu.barrier barrier_id(%barrier3A)
    %scan3A_46 = arith.constant 0 : i32
    %scan3A_47 = arith.constant 0 : i32
    %scan3A_48 = arith.constant 27 : i32
    %scan3A_49 = arith.addi %scan3A_47, %scan3A_48 : i32
    %scan3A_50 = arith.constant 1 : i32
    scf.for %scan3A_71 = %scan3A_47 to %scan3A_49 step %scan3A_50  : i32 {
      %mul3A_72 = arith.constant 3 : i32
      %mul3A_73 = arith.muli %mul3A_72, %scan3A_71 : i32
      %add3A_74 = arith.constant 0 : i32
      %add3A_75 = arith.addi %mul3A_73, %add3A_74 : i32
      %mul3A_76 = arith.constant 32 : i32
      %mul3A_77 = arith.muli %mul3A_76, %add3A_75 : i32
      %add3A_78 = arith.addi %add3A, %mul3A_77 : i32
      %lt3A_79 = arith.constant 2500 : i32
      %lt3A_80 = arith.cmpi slt, %add3A_78, %lt3A_79 : i32
      %convert_element_type3A_81 = arith.extui %lt3A_80 : i1 to i32
      %cond3A_82 = arith.constant 0 : i32
      %cond3A_83 = arith.cmpi ne, %convert_element_type3A_81, %cond3A_82 : i32
      scf.if %cond3A_83 {
        %mul3A_223 = arith.constant 128 : i32
        %mul3A_224 = arith.muli %add3A_78, %mul3A_223 : i32
        %dma_wait3A = arith.constant 0 : i32
        %dma_wait3A_225 = arith.constant 0 : i32
        %dma_wait3A_226 = tpu.memref_slice %arg6[%dma_wait3A, %dma_wait3A_225] : memref<3x128xi32, #tpu.memory_space<vmem>> -> memref<1x128xi32, #tpu.memory_space<vmem>>
        %dma_wait3A_227 = tpu.memref_squeeze %dma_wait3A_226 : memref<1x128xi32, #tpu.memory_space<vmem>> -> memref<128xi32, #tpu.memory_space<vmem>>
        %dma_wait3A_228 = tpu.memref_slice %arg3[%mul3A_224] : memref<320000xi32, #tpu.memory_space<hbm>> -> memref<128xi32, #tpu.memory_space<hbm>>
        %dma_wait3A_229 = arith.constant 0 : i32
        %dma_wait3A_230 = tpu.memref_slice %arg6[%dma_wait3A, %dma_wait3A_229] : memref<3x128xi32, #tpu.memory_space<vmem>> -> memref<1x128xi32, #tpu.memory_space<vmem>>
        %dma_wait3A_231 = tpu.memref_squeeze %dma_wait3A_230 : memref<1x128xi32, #tpu.memory_space<vmem>> -> memref<128xi32, #tpu.memory_space<vmem>>
        %dma_wait3A_232 = tpu.memref_slice %arg3[%mul3A_224] : memref<320000xi32, #tpu.memory_space<hbm>> -> memref<128xi32, #tpu.memory_space<hbm>>
        tpu.wait_dma2 semaphore(%arg9 : memref<!tpu.dma_semaphore, #tpu.memory_space<semaphore_mem>>) src(%dma_wait3A_232 : memref<128xi32, #tpu.memory_space<hbm>>) dst(%dma_wait3A_231 : memref<128xi32, #tpu.memory_space<vmem>>)
        %mul3A_233 = arith.constant 128 : i32
        %mul3A_234 = arith.muli %add3A_78, %mul3A_233 : i32
        %dma_wait3A_235 = arith.constant 0 : i32
        %dma_wait3A_236 = arith.constant 0 : i32
        %dma_wait3A_237 = arith.constant 0 : i32
        %dma_wait3A_238 = tpu.memref_slice %arg7[%dma_wait3A_235, %dma_wait3A_236, %dma_wait3A_237] : memref<3x128x128xf32, #tpu.memory_space<vmem>> -> memref<1x128x128xf32, #tpu.memory_space<vmem>>
        %dma_wait3A_239 = tpu.memref_squeeze %dma_wait3A_238 : memref<1x128x128xf32, #tpu.memory_space<vmem>> -> memref<128x128xf32, #tpu.memory_space<vmem>>
        %dma_wait3A_240 = arith.constant 0 : i32
        %dma_wait3A_241 = tpu.memref_slice %arg2[%mul3A_234, %dma_wait3A_240] : memref<320000x128xf32, #tpu.memory_space<hbm>> -> memref<128x128xf32, #tpu.memory_space<hbm>>
        %dma_wait3A_242 = arith.constant 0 : i32
        %dma_wait3A_243 = arith.constant 0 : i32
        %dma_wait3A_244 = tpu.memref_slice %arg7[%dma_wait3A_235, %dma_wait3A_242, %dma_wait3A_243] : memref<3x128x128xf32, #tpu.memory_space<vmem>> -> memref<1x128x128xf32, #tpu.memory_space<vmem>>
        %dma_wait3A_245 = tpu.memref_squeeze %dma_wait3A_244 : memref<1x128x128xf32, #tpu.memory_space<vmem>> -> memref<128x128xf32, #tpu.memory_space<vmem>>
        %dma_wait3A_246 = arith.constant 0 : i32
        %dma_wait3A_247 = tpu.memref_slice %arg2[%mul3A_234, %dma_wait3A_246] : memref<320000x128xf32, #tpu.memory_space<hbm>> -> memref<128x128xf32, #tpu.memory_space<hbm>>
        tpu.wait_dma2 semaphore(%arg9 : memref<!tpu.dma_semaphore, #tpu.memory_space<semaphore_mem>>) src(%dma_wait3A_247 : memref<128x128xf32, #tpu.memory_space<hbm>>) dst(%dma_wait3A_245 : memref<128x128xf32, #tpu.memory_space<vmem>>)
      } else {
      }
      %mul3A_84 = arith.constant 32 : i32
      %mul3A_85 = arith.muli %mul3A_84, %add3A_75 : i32
      %add3A_86 = arith.addi %add3A, %mul3A_85 : i32
      %lt3A_87 = arith.constant 2500 : i32
      %lt3A_88 = arith.cmpi slt, %add3A_86, %lt3A_87 : i32
      %convert_element_type3A_89 = arith.extui %lt3A_88 : i1 to i32
      %cond3A_90 = arith.constant 0 : i32
      %cond3A_91 = arith.cmpi ne, %convert_element_type3A_89, %cond3A_90 : i32
      scf.if %cond3A_91 {
        %run_scoped3A_223 = arith.constant 0 : i32
        %run_scoped3A_224 = arith.constant 0 : i32
        "tpu.region"() ({
          %run_scoped3A_225 = tpu.sem_alloc : memref<!tpu.dma_semaphore, #tpu.memory_space<semaphore_mem>>
          %dma_start3A = arith.constant 0 : i32
          %dma_start3A_226 = arith.constant 0 : i32
          %dma_start3A_227 = tpu.memref_slice %arg7[%run_scoped3A_223, %dma_start3A, %dma_start3A_226] : memref<3x128x128xf32, #tpu.memory_space<vmem>> -> memref<1x128x128xf32, #tpu.memory_space<vmem>>
          %dma_start3A_228 = tpu.memref_squeeze %dma_start3A_227 : memref<1x128x128xf32, #tpu.memory_space<vmem>> -> memref<128x128xf32, #tpu.memory_space<vmem>>
          %dma_start3A_229 = arith.constant 0 : i32
          %dma_start3A_230 = tpu.memref_slice %arg6[%run_scoped3A_224, %dma_start3A_229] : memref<3x128xi32, #tpu.memory_space<vmem>> -> memref<1x128xi32, #tpu.memory_space<vmem>>
          %dma_start3A_231 = tpu.memref_squeeze %dma_start3A_230 : memref<1x128xi32, #tpu.memory_space<vmem>> -> memref<128xi32, #tpu.memory_space<vmem>>
          %dma_start3A_232 = arith.constant 0 : i32
          %dma_start3A_233 = arith.constant 0 : i32
          %dma_start3A_234 = tpu.memref_slice %arg8[%dma_start3A_232, %dma_start3A_233] : memref<10000x128xf32, #tpu.memory_space<vmem_shared>> -> memref<10000x128xf32, #tpu.memory_space<vmem_shared>>
          tpu.enqueue_indirect_dma source(%dma_start3A_228 : memref<128x128xf32, #tpu.memory_space<vmem>>) target(%dma_start3A_234 : memref<10000x128xf32, #tpu.memory_space<vmem_shared>>) offsets(%dma_start3A_231 : memref<128xi32, #tpu.memory_space<vmem>>) semaphore(%run_scoped3A_225 : memref<!tpu.dma_semaphore, #tpu.memory_space<semaphore_mem>>) {add = true}
          %dma_wait3A = arith.constant 0 : i32
          %dma_wait3A_235 = arith.constant 0 : i32
          %dma_wait3A_236 = tpu.memref_slice %arg7[%run_scoped3A_223, %dma_wait3A, %dma_wait3A_235] : memref<3x128x128xf32, #tpu.memory_space<vmem>> -> memref<1x128x128xf32, #tpu.memory_space<vmem>>
          %dma_wait3A_237 = tpu.memref_squeeze %dma_wait3A_236 : memref<1x128x128xf32, #tpu.memory_space<vmem>> -> memref<128x128xf32, #tpu.memory_space<vmem>>
          %dma_wait3A_238 = arith.constant 0 : i32
          %dma_wait3A_239 = tpu.memref_slice %arg6[%run_scoped3A_224, %dma_wait3A_238] : memref<3x128xi32, #tpu.memory_space<vmem>> -> memref<1x128xi32, #tpu.memory_space<vmem>>
          %dma_wait3A_240 = tpu.memref_squeeze %dma_wait3A_239 : memref<1x128xi32, #tpu.memory_space<vmem>> -> memref<128xi32, #tpu.memory_space<vmem>>
          %dma_wait3A_241 = arith.constant 0 : i32
          %dma_wait3A_242 = arith.constant 0 : i32
          %dma_wait3A_243 = tpu.memref_slice %arg8[%dma_wait3A_241, %dma_wait3A_242] : memref<10000x128xf32, #tpu.memory_space<vmem_shared>> -> memref<10000x128xf32, #tpu.memory_space<vmem_shared>>
          tpu.wait_indirect_dma semaphore(%run_scoped3A_225 : memref<!tpu.dma_semaphore, #tpu.memory_space<semaphore_mem>>) src(%dma_wait3A_237 : memref<128x128xf32, #tpu.memory_space<vmem>>) dst(%dma_wait3A_243 : memref<10000x128xf32, #tpu.memory_space<vmem_shared>>)
          tpu.yield
        }) : () -> ()
      } else {
      }
      %mul3A_92 = arith.constant 32 : i32
      %mul3A_93 = arith.muli %mul3A_92, %add3A_75 : i32
      %add3A_94 = arith.addi %add3A, %mul3A_93 : i32
      %lt3A_95 = arith.constant 2500 : i32
      %lt3A_96 = arith.cmpi slt, %add3A_94, %lt3A_95 : i32
      %convert_element_type3A_97 = arith.extui %lt3A_96 : i1 to i32
      %cond3A_98 = arith.constant 0 : i32
      %cond3A_99 = arith.cmpi ne, %convert_element_type3A_97, %cond3A_98 : i32
      scf.if %cond3A_99 {
        %mul3A_223 = arith.constant 128 : i32
        %mul3A_224 = arith.muli %add3A_94, %mul3A_223 : i32
        %dma_start3A = arith.constant 0 : i32
        %dma_start3A_225 = arith.constant 0 : i32
        %dma_start3A_226 = arith.constant 0 : i32
        %dma_start3A_227 = tpu.memref_slice %arg7[%dma_start3A, %dma_start3A_225, %dma_start3A_226] : memref<3x128x128xf32, #tpu.memory_space<vmem>> -> memref<1x128x128xf32, #tpu.memory_space<vmem>>
        %dma_start3A_228 = tpu.memref_squeeze %dma_start3A_227 : memref<1x128x128xf32, #tpu.memory_space<vmem>> -> memref<128x128xf32, #tpu.memory_space<vmem>>
        %dma_start3A_229 = arith.constant 0 : i32
        %dma_start3A_230 = tpu.memref_slice %arg5[%mul3A_224, %dma_start3A_229] : memref<320000x128xf32, #tpu.memory_space<hbm>> -> memref<128x128xf32, #tpu.memory_space<hbm>>
        %dma_start3A_231 = arith.constant 0 : i32
        %dma_start3A_232 = tpu.memref_slice %arg5[%mul3A_224, %dma_start3A_231] : memref<320000x128xf32, #tpu.memory_space<hbm>> -> memref<128x128xf32, #tpu.memory_space<hbm>>
        %dma_start3A_233 = arith.constant 0 : i32
        %dma_start3A_234 = arith.constant 0 : i32
        %dma_start3A_235 = tpu.memref_slice %arg7[%dma_start3A, %dma_start3A_233, %dma_start3A_234] : memref<3x128x128xf32, #tpu.memory_space<vmem>> -> memref<1x128x128xf32, #tpu.memory_space<vmem>>
        %dma_start3A_236 = tpu.memref_squeeze %dma_start3A_235 : memref<1x128x128xf32, #tpu.memory_space<vmem>> -> memref<128x128xf32, #tpu.memory_space<vmem>>
        tpu.enqueue_dma source(%dma_start3A_236 : memref<128x128xf32, #tpu.memory_space<vmem>>) target(%dma_start3A_232 : memref<128x128xf32, #tpu.memory_space<hbm>>) target_semaphore(%arg12 : memref<!tpu.dma_semaphore, #tpu.memory_space<semaphore_mem>>)
      } else {
      }
      %sub3A = arith.constant 1 : i32
      %sub3A_100 = arith.subi %add3A_75, %sub3A : i32
      %mul3A_101 = arith.constant 32 : i32
      %mul3A_102 = arith.muli %mul3A_101, %sub3A_100 : i32
      %add3A_103 = arith.addi %add3A, %mul3A_102 : i32
      %ge3A = arith.constant 0 : i32
      %ge3A_104 = arith.cmpi sge, %sub3A_100, %ge3A : i32
      %lt3A_105 = arith.constant 2500 : i32
      %lt3A_106 = arith.cmpi slt, %add3A_103, %lt3A_105 : i32
      %and3A_107 = arith.andi %ge3A_104, %lt3A_106 : i1
      %convert_element_type3A_108 = arith.extui %and3A_107 : i1 to i32
      %cond3A_109 = arith.constant 0 : i32
      %cond3A_110 = arith.cmpi ne, %convert_element_type3A_108, %cond3A_109 : i32
      scf.if %cond3A_110 {
        %mul3A_223 = arith.constant 128 : i32
        %mul3A_224 = arith.muli %add3A_103, %mul3A_223 : i32
        %dma_wait3A = arith.constant 2 : i32
        %dma_wait3A_225 = arith.constant 0 : i32
        %dma_wait3A_226 = arith.constant 0 : i32
        %dma_wait3A_227 = tpu.memref_slice %arg7[%dma_wait3A, %dma_wait3A_225, %dma_wait3A_226] : memref<3x128x128xf32, #tpu.memory_space<vmem>> -> memref<1x128x128xf32, #tpu.memory_space<vmem>>
        %dma_wait3A_228 = tpu.memref_squeeze %dma_wait3A_227 : memref<1x128x128xf32, #tpu.memory_space<vmem>> -> memref<128x128xf32, #tpu.memory_space<vmem>>
        %dma_wait3A_229 = arith.constant 0 : i32
        %dma_wait3A_230 = tpu.memref_slice %arg5[%mul3A_224, %dma_wait3A_229] : memref<320000x128xf32, #tpu.memory_space<hbm>> -> memref<128x128xf32, #tpu.memory_space<hbm>>
        %dma_wait3A_231 = arith.constant 0 : i32
        %dma_wait3A_232 = tpu.memref_slice %arg5[%mul3A_224, %dma_wait3A_231] : memref<320000x128xf32, #tpu.memory_space<hbm>> -> memref<128x128xf32, #tpu.memory_space<hbm>>
        %dma_wait3A_233 = arith.constant 0 : i32
        %dma_wait3A_234 = arith.constant 0 : i32
        %dma_wait3A_235 = tpu.memref_slice %arg7[%dma_wait3A, %dma_wait3A_233, %dma_wait3A_234] : memref<3x128x128xf32, #tpu.memory_space<vmem>> -> memref<1x128x128xf32, #tpu.memory_space<vmem>>
        %dma_wait3A_236 = tpu.memref_squeeze %dma_wait3A_235 : memref<1x128x128xf32, #tpu.memory_space<vmem>> -> memref<128x128xf32, #tpu.memory_space<vmem>>
        tpu.wait_dma2 semaphore(%arg14 : memref<!tpu.dma_semaphore, #tpu.memory_space<semaphore_mem>>) src(%dma_wait3A_236 : memref<128x128xf32, #tpu.memory_space<vmem>>) dst(%dma_wait3A_232 : memref<128x128xf32, #tpu.memory_space<hbm>>)
      } else {
      }
      %add3A_111 = arith.constant 2 : i32
      %add3A_112 = arith.addi %add3A_75, %add3A_111 : i32
      %mul3A_113 = arith.constant 32 : i32
      %mul3A_114 = arith.muli %mul3A_113, %add3A_112 : i32
      %add3A_115 = arith.addi %add3A, %mul3A_114 : i32
      %lt3A_116 = arith.constant 2500 : i32
      %lt3A_117 = arith.cmpi slt, %add3A_115, %lt3A_116 : i32
      %convert_element_type3A_118 = arith.extui %lt3A_117 : i1 to i32
      %cond3A_119 = arith.constant 0 : i32
      %cond3A_120 = arith.cmpi ne, %convert_element_type3A_118, %cond3A_119 : i32
      scf.if %cond3A_120 {
        %mul3A_223 = arith.constant 128 : i32
        %mul3A_224 = arith.muli %add3A_115, %mul3A_223 : i32
        %dma_start3A = arith.constant 2 : i32
        %dma_start3A_225 = arith.constant 0 : i32
        %dma_start3A_226 = tpu.memref_slice %arg6[%dma_start3A, %dma_start3A_225] : memref<3x128xi32, #tpu.memory_space<vmem>> -> memref<1x128xi32, #tpu.memory_space<vmem>>
        %dma_start3A_227 = tpu.memref_squeeze %dma_start3A_226 : memref<1x128xi32, #tpu.memory_space<vmem>> -> memref<128xi32, #tpu.memory_space<vmem>>
        %dma_start3A_228 = tpu.memref_slice %arg3[%mul3A_224] : memref<320000xi32, #tpu.memory_space<hbm>> -> memref<128xi32, #tpu.memory_space<hbm>>
        %dma_start3A_229 = arith.constant 0 : i32
        %dma_start3A_230 = tpu.memref_slice %arg6[%dma_start3A, %dma_start3A_229] : memref<3x128xi32, #tpu.memory_space<vmem>> -> memref<1x128xi32, #tpu.memory_space<vmem>>
        %dma_start3A_231 = tpu.memref_squeeze %dma_start3A_230 : memref<1x128xi32, #tpu.memory_space<vmem>> -> memref<128xi32, #tpu.memory_space<vmem>>
        %dma_start3A_232 = tpu.memref_slice %arg3[%mul3A_224] : memref<320000xi32, #tpu.memory_space<hbm>> -> memref<128xi32, #tpu.memory_space<hbm>>
        tpu.enqueue_dma source(%dma_start3A_232 : memref<128xi32, #tpu.memory_space<hbm>>) target(%dma_start3A_231 : memref<128xi32, #tpu.memory_space<vmem>>) target_semaphore(%arg11 : memref<!tpu.dma_semaphore, #tpu.memory_space<semaphore_mem>>)
        %mul3A_233 = arith.constant 128 : i32
        %mul3A_234 = arith.muli %add3A_115, %mul3A_233 : i32
        %dma_start3A_235 = arith.constant 2 : i32
        %dma_start3A_236 = arith.constant 0 : i32
        %dma_start3A_237 = arith.constant 0 : i32
        %dma_start3A_238 = tpu.memref_slice %arg7[%dma_start3A_235, %dma_start3A_236, %dma_start3A_237] : memref<3x128x128xf32, #tpu.memory_space<vmem>> -> memref<1x128x128xf32, #tpu.memory_space<vmem>>
        %dma_start3A_239 = tpu.memref_squeeze %dma_start3A_238 : memref<1x128x128xf32, #tpu.memory_space<vmem>> -> memref<128x128xf32, #tpu.memory_space<vmem>>
        %dma_start3A_240 = arith.constant 0 : i32
        %dma_start3A_241 = tpu.memref_slice %arg2[%mul3A_234, %dma_start3A_240] : memref<320000x128xf32, #tpu.memory_space<hbm>> -> memref<128x128xf32, #tpu.memory_space<hbm>>
        %dma_start3A_242 = arith.constant 0 : i32
        %dma_start3A_243 = arith.constant 0 : i32
        %dma_start3A_244 = tpu.memref_slice %arg7[%dma_start3A_235, %dma_start3A_242, %dma_start3A_243] : memref<3x128x128xf32, #tpu.memory_space<vmem>> -> memref<1x128x128xf32, #tpu.memory_space<vmem>>
        %dma_start3A_245 = tpu.memref_squeeze %dma_start3A_244 : memref<1x128x128xf32, #tpu.memory_space<vmem>> -> memref<128x128xf32, #tpu.memory_space<vmem>>
        %dma_start3A_246 = arith.constant 0 : i32
        %dma_start3A_247 = tpu.memref_slice %arg2[%mul3A_234, %dma_start3A_246] : memref<320000x128xf32, #tpu.memory_space<hbm>> -> memref<128x128xf32, #tpu.memory_space<hbm>>
        tpu.enqueue_dma source(%dma_start3A_247 : memref<128x128xf32, #tpu.memory_space<hbm>>) target(%dma_start3A_245 : memref<128x128xf32, #tpu.memory_space<vmem>>) target_semaphore(%arg11 : memref<!tpu.dma_semaphore, #tpu.memory_space<semaphore_mem>>)
      } else {
      }
      %mul3A_121 = arith.constant 3 : i32
      %mul3A_122 = arith.muli %mul3A_121, %scan3A_71 : i32
      %add3A_123 = arith.constant 1 : i32
      %add3A_124 = arith.addi %mul3A_122, %add3A_123 : i32
      %mul3A_125 = arith.constant 32 : i32
      %mul3A_126 = arith.muli %mul3A_125, %add3A_124 : i32
      %add3A_127 = arith.addi %add3A, %mul3A_126 : i32
      %lt3A_128 = arith.constant 2500 : i32
      %lt3A_129 = arith.cmpi slt, %add3A_127, %lt3A_128 : i32
      %convert_element_type3A_130 = arith.extui %lt3A_129 : i1 to i32
      %cond3A_131 = arith.constant 0 : i32
      %cond3A_132 = arith.cmpi ne, %convert_element_type3A_130, %cond3A_131 : i32
      scf.if %cond3A_132 {
        %mul3A_223 = arith.constant 128 : i32
        %mul3A_224 = arith.muli %add3A_127, %mul3A_223 : i32
        %dma_wait3A = arith.constant 1 : i32
        %dma_wait3A_225 = arith.constant 0 : i32
        %dma_wait3A_226 = tpu.memref_slice %arg6[%dma_wait3A, %dma_wait3A_225] : memref<3x128xi32, #tpu.memory_space<vmem>> -> memref<1x128xi32, #tpu.memory_space<vmem>>
        %dma_wait3A_227 = tpu.memref_squeeze %dma_wait3A_226 : memref<1x128xi32, #tpu.memory_space<vmem>> -> memref<128xi32, #tpu.memory_space<vmem>>
        %dma_wait3A_228 = tpu.memref_slice %arg3[%mul3A_224] : memref<320000xi32, #tpu.memory_space<hbm>> -> memref<128xi32, #tpu.memory_space<hbm>>
        %dma_wait3A_229 = arith.constant 0 : i32
        %dma_wait3A_230 = tpu.memref_slice %arg6[%dma_wait3A, %dma_wait3A_229] : memref<3x128xi32, #tpu.memory_space<vmem>> -> memref<1x128xi32, #tpu.memory_space<vmem>>
        %dma_wait3A_231 = tpu.memref_squeeze %dma_wait3A_230 : memref<1x128xi32, #tpu.memory_space<vmem>> -> memref<128xi32, #tpu.memory_space<vmem>>
        %dma_wait3A_232 = tpu.memref_slice %arg3[%mul3A_224] : memref<320000xi32, #tpu.memory_space<hbm>> -> memref<128xi32, #tpu.memory_space<hbm>>
        tpu.wait_dma2 semaphore(%arg10 : memref<!tpu.dma_semaphore, #tpu.memory_space<semaphore_mem>>) src(%dma_wait3A_232 : memref<128xi32, #tpu.memory_space<hbm>>) dst(%dma_wait3A_231 : memref<128xi32, #tpu.memory_space<vmem>>)
        %mul3A_233 = arith.constant 128 : i32
        %mul3A_234 = arith.muli %add3A_127, %mul3A_233 : i32
        %dma_wait3A_235 = arith.constant 1 : i32
        %dma_wait3A_236 = arith.constant 0 : i32
        %dma_wait3A_237 = arith.constant 0 : i32
        %dma_wait3A_238 = tpu.memref_slice %arg7[%dma_wait3A_235, %dma_wait3A_236, %dma_wait3A_237] : memref<3x128x128xf32, #tpu.memory_space<vmem>> -> memref<1x128x128xf32, #tpu.memory_space<vmem>>
        %dma_wait3A_239 = tpu.memref_squeeze %dma_wait3A_238 : memref<1x128x128xf32, #tpu.memory_space<vmem>> -> memref<128x128xf32, #tpu.memory_space<vmem>>
        %dma_wait3A_240 = arith.constant 0 : i32
        %dma_wait3A_241 = tpu.memref_slice %arg2[%mul3A_234, %dma_wait3A_240] : memref<320000x128xf32, #tpu.memory_space<hbm>> -> memref<128x128xf32, #tpu.memory_space<hbm>>
        %dma_wait3A_242 = arith.constant 0 : i32
        %dma_wait3A_243 = arith.constant 0 : i32
        %dma_wait3A_244 = tpu.memref_slice %arg7[%dma_wait3A_235, %dma_wait3A_242, %dma_wait3A_243] : memref<3x128x128xf32, #tpu.memory_space<vmem>> -> memref<1x128x128xf32, #tpu.memory_space<vmem>>
        %dma_wait3A_245 = tpu.memref_squeeze %dma_wait3A_244 : memref<1x128x128xf32, #tpu.memory_space<vmem>> -> memref<128x128xf32, #tpu.memory_space<vmem>>
        %dma_wait3A_246 = arith.constant 0 : i32
        %dma_wait3A_247 = tpu.memref_slice %arg2[%mul3A_234, %dma_wait3A_246] : memref<320000x128xf32, #tpu.memory_space<hbm>> -> memref<128x128xf32, #tpu.memory_space<hbm>>
        tpu.wait_dma2 semaphore(%arg10 : memref<!tpu.dma_semaphore, #tpu.memory_space<semaphore_mem>>) src(%dma_wait3A_247 : memref<128x128xf32, #tpu.memory_space<hbm>>) dst(%dma_wait3A_245 : memref<128x128xf32, #tpu.memory_space<vmem>>)
      } else {
      }
      %mul3A_133 = arith.constant 32 : i32
      %mul3A_134 = arith.muli %mul3A_133, %add3A_124 : i32
      %add3A_135 = arith.addi %add3A, %mul3A_134 : i32
      %lt3A_136 = arith.constant 2500 : i32
      %lt3A_137 = arith.cmpi slt, %add3A_135, %lt3A_136 : i32
      %convert_element_type3A_138 = arith.extui %lt3A_137 : i1 to i32
      %cond3A_139 = arith.constant 0 : i32
      %cond3A_140 = arith.cmpi ne, %convert_element_type3A_138, %cond3A_139 : i32
      scf.if %cond3A_140 {
        %run_scoped3A_223 = arith.constant 1 : i32
        %run_scoped3A_224 = arith.constant 1 : i32
        "tpu.region"() ({
          %run_scoped3A_225 = tpu.sem_alloc : memref<!tpu.dma_semaphore, #tpu.memory_space<semaphore_mem>>
          %dma_start3A = arith.constant 0 : i32
          %dma_start3A_226 = arith.constant 0 : i32
          %dma_start3A_227 = tpu.memref_slice %arg7[%run_scoped3A_223, %dma_start3A, %dma_start3A_226] : memref<3x128x128xf32, #tpu.memory_space<vmem>> -> memref<1x128x128xf32, #tpu.memory_space<vmem>>
          %dma_start3A_228 = tpu.memref_squeeze %dma_start3A_227 : memref<1x128x128xf32, #tpu.memory_space<vmem>> -> memref<128x128xf32, #tpu.memory_space<vmem>>
          %dma_start3A_229 = arith.constant 0 : i32
          %dma_start3A_230 = tpu.memref_slice %arg6[%run_scoped3A_224, %dma_start3A_229] : memref<3x128xi32, #tpu.memory_space<vmem>> -> memref<1x128xi32, #tpu.memory_space<vmem>>
          %dma_start3A_231 = tpu.memref_squeeze %dma_start3A_230 : memref<1x128xi32, #tpu.memory_space<vmem>> -> memref<128xi32, #tpu.memory_space<vmem>>
          %dma_start3A_232 = arith.constant 0 : i32
          %dma_start3A_233 = arith.constant 0 : i32
          %dma_start3A_234 = tpu.memref_slice %arg8[%dma_start3A_232, %dma_start3A_233] : memref<10000x128xf32, #tpu.memory_space<vmem_shared>> -> memref<10000x128xf32, #tpu.memory_space<vmem_shared>>
          tpu.enqueue_indirect_dma source(%dma_start3A_228 : memref<128x128xf32, #tpu.memory_space<vmem>>) target(%dma_start3A_234 : memref<10000x128xf32, #tpu.memory_space<vmem_shared>>) offsets(%dma_start3A_231 : memref<128xi32, #tpu.memory_space<vmem>>) semaphore(%run_scoped3A_225 : memref<!tpu.dma_semaphore, #tpu.memory_space<semaphore_mem>>) {add = true}
          %dma_wait3A = arith.constant 0 : i32
          %dma_wait3A_235 = arith.constant 0 : i32
          %dma_wait3A_236 = tpu.memref_slice %arg7[%run_scoped3A_223, %dma_wait3A, %dma_wait3A_235] : memref<3x128x128xf32, #tpu.memory_space<vmem>> -> memref<1x128x128xf32, #tpu.memory_space<vmem>>
          %dma_wait3A_237 = tpu.memref_squeeze %dma_wait3A_236 : memref<1x128x128xf32, #tpu.memory_space<vmem>> -> memref<128x128xf32, #tpu.memory_space<vmem>>
          %dma_wait3A_238 = arith.constant 0 : i32
          %dma_wait3A_239 = tpu.memref_slice %arg6[%run_scoped3A_224, %dma_wait3A_238] : memref<3x128xi32, #tpu.memory_space<vmem>> -> memref<1x128xi32, #tpu.memory_space<vmem>>
          %dma_wait3A_240 = tpu.memref_squeeze %dma_wait3A_239 : memref<1x128xi32, #tpu.memory_space<vmem>> -> memref<128xi32, #tpu.memory_space<vmem>>
          %dma_wait3A_241 = arith.constant 0 : i32
          %dma_wait3A_242 = arith.constant 0 : i32
          %dma_wait3A_243 = tpu.memref_slice %arg8[%dma_wait3A_241, %dma_wait3A_242] : memref<10000x128xf32, #tpu.memory_space<vmem_shared>> -> memref<10000x128xf32, #tpu.memory_space<vmem_shared>>
          tpu.wait_indirect_dma semaphore(%run_scoped3A_225 : memref<!tpu.dma_semaphore, #tpu.memory_space<semaphore_mem>>) src(%dma_wait3A_237 : memref<128x128xf32, #tpu.memory_space<vmem>>) dst(%dma_wait3A_243 : memref<10000x128xf32, #tpu.memory_space<vmem_shared>>)
          tpu.yield
        }) : () -> ()
      } else {
      }
      %mul3A_141 = arith.constant 32 : i32
      %mul3A_142 = arith.muli %mul3A_141, %add3A_124 : i32
      %add3A_143 = arith.addi %add3A, %mul3A_142 : i32
      %lt3A_144 = arith.constant 2500 : i32
      %lt3A_145 = arith.cmpi slt, %add3A_143, %lt3A_144 : i32
      %convert_element_type3A_146 = arith.extui %lt3A_145 : i1 to i32
      %cond3A_147 = arith.constant 0 : i32
      %cond3A_148 = arith.cmpi ne, %convert_element_type3A_146, %cond3A_147 : i32
      scf.if %cond3A_148 {
        %mul3A_223 = arith.constant 128 : i32
        %mul3A_224 = arith.muli %add3A_143, %mul3A_223 : i32
        %dma_start3A = arith.constant 1 : i32
        %dma_start3A_225 = arith.constant 0 : i32
        %dma_start3A_226 = arith.constant 0 : i32
        %dma_start3A_227 = tpu.memref_slice %arg7[%dma_start3A, %dma_start3A_225, %dma_start3A_226] : memref<3x128x128xf32, #tpu.memory_space<vmem>> -> memref<1x128x128xf32, #tpu.memory_space<vmem>>
        %dma_start3A_228 = tpu.memref_squeeze %dma_start3A_227 : memref<1x128x128xf32, #tpu.memory_space<vmem>> -> memref<128x128xf32, #tpu.memory_space<vmem>>
        %dma_start3A_229 = arith.constant 0 : i32
        %dma_start3A_230 = tpu.memref_slice %arg5[%mul3A_224, %dma_start3A_229] : memref<320000x128xf32, #tpu.memory_space<hbm>> -> memref<128x128xf32, #tpu.memory_space<hbm>>
        %dma_start3A_231 = arith.constant 0 : i32
        %dma_start3A_232 = tpu.memref_slice %arg5[%mul3A_224, %dma_start3A_231] : memref<320000x128xf32, #tpu.memory_space<hbm>> -> memref<128x128xf32, #tpu.memory_space<hbm>>
        %dma_start3A_233 = arith.constant 0 : i32
        %dma_start3A_234 = arith.constant 0 : i32
        %dma_start3A_235 = tpu.memref_slice %arg7[%dma_start3A, %dma_start3A_233, %dma_start3A_234] : memref<3x128x128xf32, #tpu.memory_space<vmem>> -> memref<1x128x128xf32, #tpu.memory_space<vmem>>
        %dma_start3A_236 = tpu.memref_squeeze %dma_start3A_235 : memref<1x128x128xf32, #tpu.memory_space<vmem>> -> memref<128x128xf32, #tpu.memory_space<vmem>>
        tpu.enqueue_dma source(%dma_start3A_236 : memref<128x128xf32, #tpu.memory_space<vmem>>) target(%dma_start3A_232 : memref<128x128xf32, #tpu.memory_space<hbm>>) target_semaphore(%arg13 : memref<!tpu.dma_semaphore, #tpu.memory_space<semaphore_mem>>)
      } else {
      }
      %sub3A_149 = arith.constant 1 : i32
      %sub3A_150 = arith.subi %add3A_124, %sub3A_149 : i32
      %mul3A_151 = arith.constant 32 : i32
      %mul3A_152 = arith.muli %mul3A_151, %sub3A_150 : i32
      %add3A_153 = arith.addi %add3A, %mul3A_152 : i32
      %ge3A_154 = arith.constant 0 : i32
      %ge3A_155 = arith.cmpi sge, %sub3A_150, %ge3A_154 : i32
      %lt3A_156 = arith.constant 2500 : i32
      %lt3A_157 = arith.cmpi slt, %add3A_153, %lt3A_156 : i32
      %and3A_158 = arith.andi %ge3A_155, %lt3A_157 : i1
      %convert_element_type3A_159 = arith.extui %and3A_158 : i1 to i32
      %cond3A_160 = arith.constant 0 : i32
      %cond3A_161 = arith.cmpi ne, %convert_element_type3A_159, %cond3A_160 : i32
      scf.if %cond3A_161 {
        %mul3A_223 = arith.constant 128 : i32
        %mul3A_224 = arith.muli %add3A_153, %mul3A_223 : i32
        %dma_wait3A = arith.constant 0 : i32
        %dma_wait3A_225 = arith.constant 0 : i32
        %dma_wait3A_226 = arith.constant 0 : i32
        %dma_wait3A_227 = tpu.memref_slice %arg7[%dma_wait3A, %dma_wait3A_225, %dma_wait3A_226] : memref<3x128x128xf32, #tpu.memory_space<vmem>> -> memref<1x128x128xf32, #tpu.memory_space<vmem>>
        %dma_wait3A_228 = tpu.memref_squeeze %dma_wait3A_227 : memref<1x128x128xf32, #tpu.memory_space<vmem>> -> memref<128x128xf32, #tpu.memory_space<vmem>>
        %dma_wait3A_229 = arith.constant 0 : i32
        %dma_wait3A_230 = tpu.memref_slice %arg5[%mul3A_224, %dma_wait3A_229] : memref<320000x128xf32, #tpu.memory_space<hbm>> -> memref<128x128xf32, #tpu.memory_space<hbm>>
        %dma_wait3A_231 = arith.constant 0 : i32
        %dma_wait3A_232 = tpu.memref_slice %arg5[%mul3A_224, %dma_wait3A_231] : memref<320000x128xf32, #tpu.memory_space<hbm>> -> memref<128x128xf32, #tpu.memory_space<hbm>>
        %dma_wait3A_233 = arith.constant 0 : i32
        %dma_wait3A_234 = arith.constant 0 : i32
        %dma_wait3A_235 = tpu.memref_slice %arg7[%dma_wait3A, %dma_wait3A_233, %dma_wait3A_234] : memref<3x128x128xf32, #tpu.memory_space<vmem>> -> memref<1x128x128xf32, #tpu.memory_space<vmem>>
        %dma_wait3A_236 = tpu.memref_squeeze %dma_wait3A_235 : memref<1x128x128xf32, #tpu.memory_space<vmem>> -> memref<128x128xf32, #tpu.memory_space<vmem>>
        tpu.wait_dma2 semaphore(%arg12 : memref<!tpu.dma_semaphore, #tpu.memory_space<semaphore_mem>>) src(%dma_wait3A_236 : memref<128x128xf32, #tpu.memory_space<vmem>>) dst(%dma_wait3A_232 : memref<128x128xf32, #tpu.memory_space<hbm>>)
      } else {
      }
      %add3A_162 = arith.constant 2 : i32
      %add3A_163 = arith.addi %add3A_124, %add3A_162 : i32
      %mul3A_164 = arith.constant 32 : i32
      %mul3A_165 = arith.muli %mul3A_164, %add3A_163 : i32
      %add3A_166 = arith.addi %add3A, %mul3A_165 : i32
      %lt3A_167 = arith.constant 2500 : i32
      %lt3A_168 = arith.cmpi slt, %add3A_166, %lt3A_167 : i32
      %convert_element_type3A_169 = arith.extui %lt3A_168 : i1 to i32
      %cond3A_170 = arith.constant 0 : i32
      %cond3A_171 = arith.cmpi ne, %convert_element_type3A_169, %cond3A_170 : i32
      scf.if %cond3A_171 {
        %mul3A_223 = arith.constant 128 : i32
        %mul3A_224 = arith.muli %add3A_166, %mul3A_223 : i32
        %dma_start3A = arith.constant 0 : i32
        %dma_start3A_225 = arith.constant 0 : i32
        %dma_start3A_226 = tpu.memref_slice %arg6[%dma_start3A, %dma_start3A_225] : memref<3x128xi32, #tpu.memory_space<vmem>> -> memref<1x128xi32, #tpu.memory_space<vmem>>
        %dma_start3A_227 = tpu.memref_squeeze %dma_start3A_226 : memref<1x128xi32, #tpu.memory_space<vmem>> -> memref<128xi32, #tpu.memory_space<vmem>>
        %dma_start3A_228 = tpu.memref_slice %arg3[%mul3A_224] : memref<320000xi32, #tpu.memory_space<hbm>> -> memref<128xi32, #tpu.memory_space<hbm>>
        %dma_start3A_229 = arith.constant 0 : i32
        %dma_start3A_230 = tpu.memref_slice %arg6[%dma_start3A, %dma_start3A_229] : memref<3x128xi32, #tpu.memory_space<vmem>> -> memref<1x128xi32, #tpu.memory_space<vmem>>
        %dma_start3A_231 = tpu.memref_squeeze %dma_start3A_230 : memref<1x128xi32, #tpu.memory_space<vmem>> -> memref<128xi32, #tpu.memory_space<vmem>>
        %dma_start3A_232 = tpu.memref_slice %arg3[%mul3A_224] : memref<320000xi32, #tpu.memory_space<hbm>> -> memref<128xi32, #tpu.memory_space<hbm>>
        tpu.enqueue_dma source(%dma_start3A_232 : memref<128xi32, #tpu.memory_space<hbm>>) target(%dma_start3A_231 : memref<128xi32, #tpu.memory_space<vmem>>) target_semaphore(%arg9 : memref<!tpu.dma_semaphore, #tpu.memory_space<semaphore_mem>>)
        %mul3A_233 = arith.constant 128 : i32
        %mul3A_234 = arith.muli %add3A_166, %mul3A_233 : i32
        %dma_start3A_235 = arith.constant 0 : i32
        %dma_start3A_236 = arith.constant 0 : i32
        %dma_start3A_237 = arith.constant 0 : i32
        %dma_start3A_238 = tpu.memref_slice %arg7[%dma_start3A_235, %dma_start3A_236, %dma_start3A_237] : memref<3x128x128xf32, #tpu.memory_space<vmem>> -> memref<1x128x128xf32, #tpu.memory_space<vmem>>
        %dma_start3A_239 = tpu.memref_squeeze %dma_start3A_238 : memref<1x128x128xf32, #tpu.memory_space<vmem>> -> memref<128x128xf32, #tpu.memory_space<vmem>>
        %dma_start3A_240 = arith.constant 0 : i32
        %dma_start3A_241 = tpu.memref_slice %arg2[%mul3A_234, %dma_start3A_240] : memref<320000x128xf32, #tpu.memory_space<hbm>> -> memref<128x128xf32, #tpu.memory_space<hbm>>
        %dma_start3A_242 = arith.constant 0 : i32
        %dma_start3A_243 = arith.constant 0 : i32
        %dma_start3A_244 = tpu.memref_slice %arg7[%dma_start3A_235, %dma_start3A_242, %dma_start3A_243] : memref<3x128x128xf32, #tpu.memory_space<vmem>> -> memref<1x128x128xf32, #tpu.memory_space<vmem>>
        %dma_start3A_245 = tpu.memref_squeeze %dma_start3A_244 : memref<1x128x128xf32, #tpu.memory_space<vmem>> -> memref<128x128xf32, #tpu.memory_space<vmem>>
        %dma_start3A_246 = arith.constant 0 : i32
        %dma_start3A_247 = tpu.memref_slice %arg2[%mul3A_234, %dma_start3A_246] : memref<320000x128xf32, #tpu.memory_space<hbm>> -> memref<128x128xf32, #tpu.memory_space<hbm>>
        tpu.enqueue_dma source(%dma_start3A_247 : memref<128x128xf32, #tpu.memory_space<hbm>>) target(%dma_start3A_245 : memref<128x128xf32, #tpu.memory_space<vmem>>) target_semaphore(%arg9 : memref<!tpu.dma_semaphore, #tpu.memory_space<semaphore_mem>>)
      } else {
      }
      %mul3A_172 = arith.constant 3 : i32
      %mul3A_173 = arith.muli %mul3A_172, %scan3A_71 : i32
      %add3A_174 = arith.constant 2 : i32
      %add3A_175 = arith.addi %mul3A_173, %add3A_174 : i32
      %mul3A_176 = arith.constant 32 : i32
      %mul3A_177 = arith.muli %mul3A_176, %add3A_175 : i32
      %add3A_178 = arith.addi %add3A, %mul3A_177 : i32
      %lt3A_179 = arith.constant 2500 : i32
      %lt3A_180 = arith.cmpi slt, %add3A_178, %lt3A_179 : i32
      %convert_element_type3A_181 = arith.extui %lt3A_180 : i1 to i32
      %cond3A_182 = arith.constant 0 : i32
      %cond3A_183 = arith.cmpi ne, %convert_element_type3A_181, %cond3A_182 : i32
      scf.if %cond3A_183 {
        %mul3A_223 = arith.constant 128 : i32
        %mul3A_224 = arith.muli %add3A_178, %mul3A_223 : i32
        %dma_wait3A = arith.constant 2 : i32
        %dma_wait3A_225 = arith.constant 0 : i32
        %dma_wait3A_226 = tpu.memref_slice %arg6[%dma_wait3A, %dma_wait3A_225] : memref<3x128xi32, #tpu.memory_space<vmem>> -> memref<1x128xi32, #tpu.memory_space<vmem>>
        %dma_wait3A_227 = tpu.memref_squeeze %dma_wait3A_226 : memref<1x128xi32, #tpu.memory_space<vmem>> -> memref<128xi32, #tpu.memory_space<vmem>>
        %dma_wait3A_228 = tpu.memref_slice %arg3[%mul3A_224] : memref<320000xi32, #tpu.memory_space<hbm>> -> memref<128xi32, #tpu.memory_space<hbm>>
        %dma_wait3A_229 = arith.constant 0 : i32
        %dma_wait3A_230 = tpu.memref_slice %arg6[%dma_wait3A, %dma_wait3A_229] : memref<3x128xi32, #tpu.memory_space<vmem>> -> memref<1x128xi32, #tpu.memory_space<vmem>>
        %dma_wait3A_231 = tpu.memref_squeeze %dma_wait3A_230 : memref<1x128xi32, #tpu.memory_space<vmem>> -> memref<128xi32, #tpu.memory_space<vmem>>
        %dma_wait3A_232 = tpu.memref_slice %arg3[%mul3A_224] : memref<320000xi32, #tpu.memory_space<hbm>> -> memref<128xi32, #tpu.memory_space<hbm>>
        tpu.wait_dma2 semaphore(%arg11 : memref<!tpu.dma_semaphore, #tpu.memory_space<semaphore_mem>>) src(%dma_wait3A_232 : memref<128xi32, #tpu.memory_space<hbm>>) dst(%dma_wait3A_231 : memref<128xi32, #tpu.memory_space<vmem>>)
        %mul3A_233 = arith.constant 128 : i32
        %mul3A_234 = arith.muli %add3A_178, %mul3A_233 : i32
        %dma_wait3A_235 = arith.constant 2 : i32
        %dma_wait3A_236 = arith.constant 0 : i32
        %dma_wait3A_237 = arith.constant 0 : i32
        %dma_wait3A_238 = tpu.memref_slice %arg7[%dma_wait3A_235, %dma_wait3A_236, %dma_wait3A_237] : memref<3x128x128xf32, #tpu.memory_space<vmem>> -> memref<1x128x128xf32, #tpu.memory_space<vmem>>
        %dma_wait3A_239 = tpu.memref_squeeze %dma_wait3A_238 : memref<1x128x128xf32, #tpu.memory_space<vmem>> -> memref<128x128xf32, #tpu.memory_space<vmem>>
        %dma_wait3A_240 = arith.constant 0 : i32
        %dma_wait3A_241 = tpu.memref_slice %arg2[%mul3A_234, %dma_wait3A_240] : memref<320000x128xf32, #tpu.memory_space<hbm>> -> memref<128x128xf32, #tpu.memory_space<hbm>>
        %dma_wait3A_242 = arith.constant 0 : i32
        %dma_wait3A_243 = arith.constant 0 : i32
        %dma_wait3A_244 = tpu.memref_slice %arg7[%dma_wait3A_235, %dma_wait3A_242, %dma_wait3A_243] : memref<3x128x128xf32, #tpu.memory_space<vmem>> -> memref<1x128x128xf32, #tpu.memory_space<vmem>>
        %dma_wait3A_245 = tpu.memref_squeeze %dma_wait3A_244 : memref<1x128x128xf32, #tpu.memory_space<vmem>> -> memref<128x128xf32, #tpu.memory_space<vmem>>
        %dma_wait3A_246 = arith.constant 0 : i32
        %dma_wait3A_247 = tpu.memref_slice %arg2[%mul3A_234, %dma_wait3A_246] : memref<320000x128xf32, #tpu.memory_space<hbm>> -> memref<128x128xf32, #tpu.memory_space<hbm>>
        tpu.wait_dma2 semaphore(%arg11 : memref<!tpu.dma_semaphore, #tpu.memory_space<semaphore_mem>>) src(%dma_wait3A_247 : memref<128x128xf32, #tpu.memory_space<hbm>>) dst(%dma_wait3A_245 : memref<128x128xf32, #tpu.memory_space<vmem>>)
      } else {
      }
      %mul3A_184 = arith.constant 32 : i32
      %mul3A_185 = arith.muli %mul3A_184, %add3A_175 : i32
      %add3A_186 = arith.addi %add3A, %mul3A_185 : i32
      %lt3A_187 = arith.constant 2500 : i32
      %lt3A_188 = arith.cmpi slt, %add3A_186, %lt3A_187 : i32
      %convert_element_type3A_189 = arith.extui %lt3A_188 : i1 to i32
      %cond3A_190 = arith.constant 0 : i32
      %cond3A_191 = arith.cmpi ne, %convert_element_type3A_189, %cond3A_190 : i32
      scf.if %cond3A_191 {
        %run_scoped3A_223 = arith.constant 2 : i32
        %run_scoped3A_224 = arith.constant 2 : i32
        "tpu.region"() ({
          %run_scoped3A_225 = tpu.sem_alloc : memref<!tpu.dma_semaphore, #tpu.memory_space<semaphore_mem>>
          %dma_start3A = arith.constant 0 : i32
          %dma_start3A_226 = arith.constant 0 : i32
          %dma_start3A_227 = tpu.memref_slice %arg7[%run_scoped3A_223, %dma_start3A, %dma_start3A_226] : memref<3x128x128xf32, #tpu.memory_space<vmem>> -> memref<1x128x128xf32, #tpu.memory_space<vmem>>
          %dma_start3A_228 = tpu.memref_squeeze %dma_start3A_227 : memref<1x128x128xf32, #tpu.memory_space<vmem>> -> memref<128x128xf32, #tpu.memory_space<vmem>>
          %dma_start3A_229 = arith.constant 0 : i32
          %dma_start3A_230 = tpu.memref_slice %arg6[%run_scoped3A_224, %dma_start3A_229] : memref<3x128xi32, #tpu.memory_space<vmem>> -> memref<1x128xi32, #tpu.memory_space<vmem>>
          %dma_start3A_231 = tpu.memref_squeeze %dma_start3A_230 : memref<1x128xi32, #tpu.memory_space<vmem>> -> memref<128xi32, #tpu.memory_space<vmem>>
          %dma_start3A_232 = arith.constant 0 : i32
          %dma_start3A_233 = arith.constant 0 : i32
          %dma_start3A_234 = tpu.memref_slice %arg8[%dma_start3A_232, %dma_start3A_233] : memref<10000x128xf32, #tpu.memory_space<vmem_shared>> -> memref<10000x128xf32, #tpu.memory_space<vmem_shared>>
          tpu.enqueue_indirect_dma source(%dma_start3A_228 : memref<128x128xf32, #tpu.memory_space<vmem>>) target(%dma_start3A_234 : memref<10000x128xf32, #tpu.memory_space<vmem_shared>>) offsets(%dma_start3A_231 : memref<128xi32, #tpu.memory_space<vmem>>) semaphore(%run_scoped3A_225 : memref<!tpu.dma_semaphore, #tpu.memory_space<semaphore_mem>>) {add = true}
          %dma_wait3A = arith.constant 0 : i32
          %dma_wait3A_235 = arith.constant 0 : i32
          %dma_wait3A_236 = tpu.memref_slice %arg7[%run_scoped3A_223, %dma_wait3A, %dma_wait3A_235] : memref<3x128x128xf32, #tpu.memory_space<vmem>> -> memref<1x128x128xf32, #tpu.memory_space<vmem>>
          %dma_wait3A_237 = tpu.memref_squeeze %dma_wait3A_236 : memref<1x128x128xf32, #tpu.memory_space<vmem>> -> memref<128x128xf32, #tpu.memory_space<vmem>>
          %dma_wait3A_238 = arith.constant 0 : i32
          %dma_wait3A_239 = tpu.memref_slice %arg6[%run_scoped3A_224, %dma_wait3A_238] : memref<3x128xi32, #tpu.memory_space<vmem>> -> memref<1x128xi32, #tpu.memory_space<vmem>>
          %dma_wait3A_240 = tpu.memref_squeeze %dma_wait3A_239 : memref<1x128xi32, #tpu.memory_space<vmem>> -> memref<128xi32, #tpu.memory_space<vmem>>
          %dma_wait3A_241 = arith.constant 0 : i32
          %dma_wait3A_242 = arith.constant 0 : i32
          %dma_wait3A_243 = tpu.memref_slice %arg8[%dma_wait3A_241, %dma_wait3A_242] : memref<10000x128xf32, #tpu.memory_space<vmem_shared>> -> memref<10000x128xf32, #tpu.memory_space<vmem_shared>>
          tpu.wait_indirect_dma semaphore(%run_scoped3A_225 : memref<!tpu.dma_semaphore, #tpu.memory_space<semaphore_mem>>) src(%dma_wait3A_237 : memref<128x128xf32, #tpu.memory_space<vmem>>) dst(%dma_wait3A_243 : memref<10000x128xf32, #tpu.memory_space<vmem_shared>>)
          tpu.yield
        }) : () -> ()
      } else {
      }
      %mul3A_192 = arith.constant 32 : i32
      %mul3A_193 = arith.muli %mul3A_192, %add3A_175 : i32
      %add3A_194 = arith.addi %add3A, %mul3A_193 : i32
      %lt3A_195 = arith.constant 2500 : i32
      %lt3A_196 = arith.cmpi slt, %add3A_194, %lt3A_195 : i32
      %convert_element_type3A_197 = arith.extui %lt3A_196 : i1 to i32
      %cond3A_198 = arith.constant 0 : i32
      %cond3A_199 = arith.cmpi ne, %convert_element_type3A_197, %cond3A_198 : i32
      scf.if %cond3A_199 {
        %mul3A_223 = arith.constant 128 : i32
        %mul3A_224 = arith.muli %add3A_194, %mul3A_223 : i32
        %dma_start3A = arith.constant 2 : i32
        %dma_start3A_225 = arith.constant 0 : i32
        %dma_start3A_226 = arith.constant 0 : i32
        %dma_start3A_227 = tpu.memref_slice %arg7[%dma_start3A, %dma_start3A_225, %dma_start3A_226] : memref<3x128x128xf32, #tpu.memory_space<vmem>> -> memref<1x128x128xf32, #tpu.memory_space<vmem>>
        %dma_start3A_228 = tpu.memref_squeeze %dma_start3A_227 : memref<1x128x128xf32, #tpu.memory_space<vmem>> -> memref<128x128xf32, #tpu.memory_space<vmem>>
        %dma_start3A_229 = arith.constant 0 : i32
        %dma_start3A_230 = tpu.memref_slice %arg5[%mul3A_224, %dma_start3A_229] : memref<320000x128xf32, #tpu.memory_space<hbm>> -> memref<128x128xf32, #tpu.memory_space<hbm>>
        %dma_start3A_231 = arith.constant 0 : i32
        %dma_start3A_232 = tpu.memref_slice %arg5[%mul3A_224, %dma_start3A_231] : memref<320000x128xf32, #tpu.memory_space<hbm>> -> memref<128x128xf32, #tpu.memory_space<hbm>>
        %dma_start3A_233 = arith.constant 0 : i32
        %dma_start3A_234 = arith.constant 0 : i32
        %dma_start3A_235 = tpu.memref_slice %arg7[%dma_start3A, %dma_start3A_233, %dma_start3A_234] : memref<3x128x128xf32, #tpu.memory_space<vmem>> -> memref<1x128x128xf32, #tpu.memory_space<vmem>>
        %dma_start3A_236 = tpu.memref_squeeze %dma_start3A_235 : memref<1x128x128xf32, #tpu.memory_space<vmem>> -> memref<128x128xf32, #tpu.memory_space<vmem>>
        tpu.enqueue_dma source(%dma_start3A_236 : memref<128x128xf32, #tpu.memory_space<vmem>>) target(%dma_start3A_232 : memref<128x128xf32, #tpu.memory_space<hbm>>) target_semaphore(%arg14 : memref<!tpu.dma_semaphore, #tpu.memory_space<semaphore_mem>>)
      } else {
      }
      %sub3A_200 = arith.constant 1 : i32
      %sub3A_201 = arith.subi %add3A_175, %sub3A_200 : i32
      %mul3A_202 = arith.constant 32 : i32
      %mul3A_203 = arith.muli %mul3A_202, %sub3A_201 : i32
      %add3A_204 = arith.addi %add3A, %mul3A_203 : i32
      %ge3A_205 = arith.constant 0 : i32
      %ge3A_206 = arith.cmpi sge, %sub3A_201, %ge3A_205 : i32
      %lt3A_207 = arith.constant 2500 : i32
      %lt3A_208 = arith.cmpi slt, %add3A_204, %lt3A_207 : i32
      %and3A_209 = arith.andi %ge3A_206, %lt3A_208 : i1
      %convert_element_type3A_210 = arith.extui %and3A_209 : i1 to i32
      %cond3A_211 = arith.constant 0 : i32
      %cond3A_212 = arith.cmpi ne, %convert_element_type3A_210, %cond3A_211 : i32
      scf.if %cond3A_212 {
        %mul3A_223 = arith.constant 128 : i32
        %mul3A_224 = arith.muli %add3A_204, %mul3A_223 : i32
        %dma_wait3A = arith.constant 1 : i32
        %dma_wait3A_225 = arith.constant 0 : i32
        %dma_wait3A_226 = arith.constant 0 : i32
        %dma_wait3A_227 = tpu.memref_slice %arg7[%dma_wait3A, %dma_wait3A_225, %dma_wait3A_226] : memref<3x128x128xf32, #tpu.memory_space<vmem>> -> memref<1x128x128xf32, #tpu.memory_space<vmem>>
        %dma_wait3A_228 = tpu.memref_squeeze %dma_wait3A_227 : memref<1x128x128xf32, #tpu.memory_space<vmem>> -> memref<128x128xf32, #tpu.memory_space<vmem>>
        %dma_wait3A_229 = arith.constant 0 : i32
        %dma_wait3A_230 = tpu.memref_slice %arg5[%mul3A_224, %dma_wait3A_229] : memref<320000x128xf32, #tpu.memory_space<hbm>> -> memref<128x128xf32, #tpu.memory_space<hbm>>
        %dma_wait3A_231 = arith.constant 0 : i32
        %dma_wait3A_232 = tpu.memref_slice %arg5[%mul3A_224, %dma_wait3A_231] : memref<320000x128xf32, #tpu.memory_space<hbm>> -> memref<128x128xf32, #tpu.memory_space<hbm>>
        %dma_wait3A_233 = arith.constant 0 : i32
        %dma_wait3A_234 = arith.constant 0 : i32
        %dma_wait3A_235 = tpu.memref_slice %arg7[%dma_wait3A, %dma_wait3A_233, %dma_wait3A_234] : memref<3x128x128xf32, #tpu.memory_space<vmem>> -> memref<1x128x128xf32, #tpu.memory_space<vmem>>
        %dma_wait3A_236 = tpu.memref_squeeze %dma_wait3A_235 : memref<1x128x128xf32, #tpu.memory_space<vmem>> -> memref<128x128xf32, #tpu.memory_space<vmem>>
        tpu.wait_dma2 semaphore(%arg13 : memref<!tpu.dma_semaphore, #tpu.memory_space<semaphore_mem>>) src(%dma_wait3A_236 : memref<128x128xf32, #tpu.memory_space<vmem>>) dst(%dma_wait3A_232 : memref<128x128xf32, #tpu.memory_space<hbm>>)
      } else {
      }
      %add3A_213 = arith.constant 2 : i32
      %add3A_214 = arith.addi %add3A_175, %add3A_213 : i32
      %mul3A_215 = arith.constant 32 : i32
      %mul3A_216 = arith.muli %mul3A_215, %add3A_214 : i32
      %add3A_217 = arith.addi %add3A, %mul3A_216 : i32
      %lt3A_218 = arith.constant 2500 : i32
      %lt3A_219 = arith.cmpi slt, %add3A_217, %lt3A_218 : i32
      %convert_element_type3A_220 = arith.extui %lt3A_219 : i1 to i32
      %cond3A_221 = arith.constant 0 : i32
      %cond3A_222 = arith.cmpi ne, %convert_element_type3A_220, %cond3A_221 : i32
      scf.if %cond3A_222 {
        %mul3A_223 = arith.constant 128 : i32
        %mul3A_224 = arith.muli %add3A_217, %mul3A_223 : i32
        %dma_start3A = arith.constant 1 : i32
        %dma_start3A_225 = arith.constant 0 : i32
        %dma_start3A_226 = tpu.memref_slice %arg6[%dma_start3A, %dma_start3A_225] : memref<3x128xi32, #tpu.memory_space<vmem>> -> memref<1x128xi32, #tpu.memory_space<vmem>>
        %dma_start3A_227 = tpu.memref_squeeze %dma_start3A_226 : memref<1x128xi32, #tpu.memory_space<vmem>> -> memref<128xi32, #tpu.memory_space<vmem>>
        %dma_start3A_228 = tpu.memref_slice %arg3[%mul3A_224] : memref<320000xi32, #tpu.memory_space<hbm>> -> memref<128xi32, #tpu.memory_space<hbm>>
        %dma_start3A_229 = arith.constant 0 : i32
        %dma_start3A_230 = tpu.memref_slice %arg6[%dma_start3A, %dma_start3A_229] : memref<3x128xi32, #tpu.memory_space<vmem>> -> memref<1x128xi32, #tpu.memory_space<vmem>>
        %dma_start3A_231 = tpu.memref_squeeze %dma_start3A_230 : memref<1x128xi32, #tpu.memory_space<vmem>> -> memref<128xi32, #tpu.memory_space<vmem>>
        %dma_start3A_232 = tpu.memref_slice %arg3[%mul3A_224] : memref<320000xi32, #tpu.memory_space<hbm>> -> memref<128xi32, #tpu.memory_space<hbm>>
        tpu.enqueue_dma source(%dma_start3A_232 : memref<128xi32, #tpu.memory_space<hbm>>) target(%dma_start3A_231 : memref<128xi32, #tpu.memory_space<vmem>>) target_semaphore(%arg10 : memref<!tpu.dma_semaphore, #tpu.memory_space<semaphore_mem>>)
        %mul3A_233 = arith.constant 128 : i32
        %mul3A_234 = arith.muli %add3A_217, %mul3A_233 : i32
        %dma_start3A_235 = arith.constant 1 : i32
        %dma_start3A_236 = arith.constant 0 : i32
        %dma_start3A_237 = arith.constant 0 : i32
        %dma_start3A_238 = tpu.memref_slice %arg7[%dma_start3A_235, %dma_start3A_236, %dma_start3A_237] : memref<3x128x128xf32, #tpu.memory_space<vmem>> -> memref<1x128x128xf32, #tpu.memory_space<vmem>>
        %dma_start3A_239 = tpu.memref_squeeze %dma_start3A_238 : memref<1x128x128xf32, #tpu.memory_space<vmem>> -> memref<128x128xf32, #tpu.memory_space<vmem>>
        %dma_start3A_240 = arith.constant 0 : i32
        %dma_start3A_241 = tpu.memref_slice %arg2[%mul3A_234, %dma_start3A_240] : memref<320000x128xf32, #tpu.memory_space<hbm>> -> memref<128x128xf32, #tpu.memory_space<hbm>>
        %dma_start3A_242 = arith.constant 0 : i32
        %dma_start3A_243 = arith.constant 0 : i32
        %dma_start3A_244 = tpu.memref_slice %arg7[%dma_start3A_235, %dma_start3A_242, %dma_start3A_243] : memref<3x128x128xf32, #tpu.memory_space<vmem>> -> memref<1x128x128xf32, #tpu.memory_space<vmem>>
        %dma_start3A_245 = tpu.memref_squeeze %dma_start3A_244 : memref<1x128x128xf32, #tpu.memory_space<vmem>> -> memref<128x128xf32, #tpu.memory_space<vmem>>
        %dma_start3A_246 = arith.constant 0 : i32
        %dma_start3A_247 = tpu.memref_slice %arg2[%mul3A_234, %dma_start3A_246] : memref<320000x128xf32, #tpu.memory_space<hbm>> -> memref<128x128xf32, #tpu.memory_space<hbm>>
        tpu.enqueue_dma source(%dma_start3A_247 : memref<128x128xf32, #tpu.memory_space<hbm>>) target(%dma_start3A_245 : memref<128x128xf32, #tpu.memory_space<vmem>>) target_semaphore(%arg10 : memref<!tpu.dma_semaphore, #tpu.memory_space<semaphore_mem>>)
      } else {
      }
    }
    %scan3A_51 = arith.constant 27 : i32
    %add3A_52 = arith.constant 2560 : i32
    %add3A_53 = arith.addi %add3A, %add3A_52 : i32
    %lt3A_54 = arith.constant 2500 : i32
    %lt3A_55 = arith.cmpi slt, %add3A_53, %lt3A_54 : i32
    %and3A = arith.constant true
    %and3A_56 = arith.andi %and3A, %lt3A_55 : i1
    %convert_element_type3A_57 = arith.extui %and3A_56 : i1 to i32
    %cond3A_58 = arith.constant 0 : i32
    %cond3A_59 = arith.cmpi ne, %convert_element_type3A_57, %cond3A_58 : i32
    scf.if %cond3A_59 {
      %mul3A_71 = arith.constant 128 : i32
      %mul3A_72 = arith.muli %add3A_53, %mul3A_71 : i32
      %dma_wait3A = arith.constant 2 : i32
      %dma_wait3A_73 = arith.constant 0 : i32
      %dma_wait3A_74 = arith.constant 0 : i32
      %dma_wait3A_75 = tpu.memref_slice %arg7[%dma_wait3A, %dma_wait3A_73, %dma_wait3A_74] : memref<3x128x128xf32, #tpu.memory_space<vmem>> -> memref<1x128x128xf32, #tpu.memory_space<vmem>>
      %dma_wait3A_76 = tpu.memref_squeeze %dma_wait3A_75 : memref<1x128x128xf32, #tpu.memory_space<vmem>> -> memref<128x128xf32, #tpu.memory_space<vmem>>
      %dma_wait3A_77 = arith.constant 0 : i32
      %dma_wait3A_78 = tpu.memref_slice %arg5[%mul3A_72, %dma_wait3A_77] : memref<320000x128xf32, #tpu.memory_space<hbm>> -> memref<128x128xf32, #tpu.memory_space<hbm>>
      %dma_wait3A_79 = arith.constant 0 : i32
      %dma_wait3A_80 = tpu.memref_slice %arg5[%mul3A_72, %dma_wait3A_79] : memref<320000x128xf32, #tpu.memory_space<hbm>> -> memref<128x128xf32, #tpu.memory_space<hbm>>
      %dma_wait3A_81 = arith.constant 0 : i32
      %dma_wait3A_82 = arith.constant 0 : i32
      %dma_wait3A_83 = tpu.memref_slice %arg7[%dma_wait3A, %dma_wait3A_81, %dma_wait3A_82] : memref<3x128x128xf32, #tpu.memory_space<vmem>> -> memref<1x128x128xf32, #tpu.memory_space<vmem>>
      %dma_wait3A_84 = tpu.memref_squeeze %dma_wait3A_83 : memref<1x128x128xf32, #tpu.memory_space<vmem>> -> memref<128x128xf32, #tpu.memory_space<vmem>>
      tpu.wait_dma2 semaphore(%arg14 : memref<!tpu.dma_semaphore, #tpu.memory_space<semaphore_mem>>) src(%dma_wait3A_84 : memref<128x128xf32, #tpu.memory_space<vmem>>) dst(%dma_wait3A_80 : memref<128x128xf32, #tpu.memory_space<hbm>>)
    } else {
    }
    %barrier3A_60 = arith.constant 0 : index
    tpu.barrier barrier_id(%barrier3A_60)
    %lt3A_61 = arith.constant 15 : i32
    %lt3A_62 = arith.cmpi slt, %arg1, %lt3A_61 : i32
    %convert_element_type3A_63 = arith.extui %lt3A_62 : i1 to i32
    %cond3A_64 = arith.constant 0 : i32
    %cond3A_65 = arith.cmpi ne, %convert_element_type3A_63, %cond3A_64 : i32
    scf.if %cond3A_65 {
      %mul3A_71 = arith.constant 624 : i32
      %mul3A_72 = arith.muli %arg1, %mul3A_71 : i32
      %mul3A_73 = arith.constant 624 : i32
      %mul3A_74 = arith.muli %arg1, %mul3A_73 : i32
      "tpu.region"() ({
        %run_scoped3A_75 = tpu.sem_alloc : memref<!tpu.dma_semaphore, #tpu.memory_space<semaphore_mem>>
        %dma_start3A = arith.constant 0 : i32
        %dma_start3A_76 = tpu.memref_slice %arg4[%arg0, %mul3A_74, %dma_start3A] : memref<2x10000x128xf32, #tpu.memory_space<hbm>> -> memref<1x624x128xf32, #tpu.memory_space<hbm>>
        %dma_start3A_77 = tpu.memref_squeeze %dma_start3A_76 : memref<1x624x128xf32, #tpu.memory_space<hbm>> -> memref<624x128xf32, #tpu.memory_space<hbm>>
        %dma_start3A_78 = arith.constant 0 : i32
        %dma_start3A_79 = tpu.memref_slice %arg8[%mul3A_72, %dma_start3A_78] : memref<10000x128xf32, #tpu.memory_space<vmem_shared>> -> memref<624x128xf32, #tpu.memory_space<vmem_shared>>
        tpu.enqueue_dma source(%dma_start3A_79 : memref<624x128xf32, #tpu.memory_space<vmem_shared>>) target(%dma_start3A_77 : memref<624x128xf32, #tpu.memory_space<hbm>>) target_semaphore(%run_scoped3A_75 : memref<!tpu.dma_semaphore, #tpu.memory_space<semaphore_mem>>)
        %dma_wait3A = arith.constant 0 : i32
        %dma_wait3A_80 = tpu.memref_slice %arg4[%arg0, %mul3A_74, %dma_wait3A] : memref<2x10000x128xf32, #tpu.memory_space<hbm>> -> memref<1x624x128xf32, #tpu.memory_space<hbm>>
        %dma_wait3A_81 = tpu.memref_squeeze %dma_wait3A_80 : memref<1x624x128xf32, #tpu.memory_space<hbm>> -> memref<624x128xf32, #tpu.memory_space<hbm>>
        %dma_wait3A_82 = arith.constant 0 : i32
        %dma_wait3A_83 = tpu.memref_slice %arg8[%mul3A_72, %dma_wait3A_82] : memref<10000x128xf32, #tpu.memory_space<vmem_shared>> -> memref<624x128xf32, #tpu.memory_space<vmem_shared>>
        tpu.wait_dma2 semaphore(%run_scoped3A_75 : memref<!tpu.dma_semaphore, #tpu.memory_space<semaphore_mem>>) src(%dma_wait3A_83 : memref<624x128xf32, #tpu.memory_space<vmem_shared>>) dst(%dma_wait3A_81 : memref<624x128xf32, #tpu.memory_space<hbm>>)
        tpu.yield
      }) : () -> ()
    } else {
    }
    %eq3A_66 = arith.constant 15 : i32
    %eq3A_67 = arith.cmpi eq, %arg1, %eq3A_66 : i32
    %convert_element_type3A_68 = arith.extui %eq3A_67 : i1 to i32
    %cond3A_69 = arith.constant 0 : i32
    %cond3A_70 = arith.cmpi ne, %convert_element_type3A_68, %cond3A_69 : i32
    scf.if %cond3A_70 {
      "tpu.region"() ({
        %run_scoped3A_71 = tpu.sem_alloc : memref<!tpu.dma_semaphore, #tpu.memory_space<semaphore_mem>>
        %dma_start3A = arith.constant 9360 : i32
        %dma_start3A_72 = arith.constant 0 : i32
        %dma_start3A_73 = tpu.memref_slice %arg4[%arg0, %dma_start3A, %dma_start3A_72] : memref<2x10000x128xf32, #tpu.memory_space<hbm>> -> memref<1x640x128xf32, #tpu.memory_space<hbm>>
        %dma_start3A_74 = tpu.memref_squeeze %dma_start3A_73 : memref<1x640x128xf32, #tpu.memory_space<hbm>> -> memref<640x128xf32, #tpu.memory_space<hbm>>
        %dma_start3A_75 = arith.constant 9360 : i32
        %dma_start3A_76 = arith.constant 0 : i32
        %dma_start3A_77 = tpu.memref_slice %arg8[%dma_start3A_75, %dma_start3A_76] : memref<10000x128xf32, #tpu.memory_space<vmem_shared>> -> memref<640x128xf32, #tpu.memory_space<vmem_shared>>
        tpu.enqueue_dma source(%dma_start3A_77 : memref<640x128xf32, #tpu.memory_space<vmem_shared>>) target(%dma_start3A_74 : memref<640x128xf32, #tpu.memory_space<hbm>>) target_semaphore(%run_scoped3A_71 : memref<!tpu.dma_semaphore, #tpu.memory_space<semaphore_mem>>)
        %dma_wait3A = arith.constant 9360 : i32
        %dma_wait3A_78 = arith.constant 0 : i32
        %dma_wait3A_79 = tpu.memref_slice %arg4[%arg0, %dma_wait3A, %dma_wait3A_78] : memref<2x10000x128xf32, #tpu.memory_space<hbm>> -> memref<1x640x128xf32, #tpu.memory_space<hbm>>
        %dma_wait3A_80 = tpu.memref_squeeze %dma_wait3A_79 : memref<1x640x128xf32, #tpu.memory_space<hbm>> -> memref<640x128xf32, #tpu.memory_space<hbm>>
        %dma_wait3A_81 = arith.constant 9360 : i32
        %dma_wait3A_82 = arith.constant 0 : i32
        %dma_wait3A_83 = tpu.memref_slice %arg8[%dma_wait3A_81, %dma_wait3A_82] : memref<10000x128xf32, #tpu.memory_space<vmem_shared>> -> memref<640x128xf32, #tpu.memory_space<vmem_shared>>
        tpu.wait_dma2 semaphore(%run_scoped3A_71 : memref<!tpu.dma_semaphore, #tpu.memory_space<semaphore_mem>>) src(%dma_wait3A_83 : memref<640x128xf32, #tpu.memory_space<vmem_shared>>) dst(%dma_wait3A_80 : memref<640x128xf32, #tpu.memory_space<hbm>>)
        tpu.yield
      }) : () -> ()
    } else {
    }
    return
  }
}

module attributes {stable_mosaic.version = 14 : i64} {
  func.func @_mlp_body(%arg0: i32, %arg1: memref<2x2000x128xf32, #tpu.memory_space<vmem>>, %arg2: memref<2000x128xf32, #tpu.memory_space<vmem>>, %arg3: memref<256x128xf32, #tpu.memory_space<vmem>>, %arg4: memref<1x128xf32, #tpu.memory_space<vmem>>, %arg5: memref<128x128xf32, #tpu.memory_space<vmem>>, %arg6: memref<1x128xf32, #tpu.memory_space<vmem>>, %arg7: memref<1x128xf32, #tpu.memory_space<vmem>>, %arg8: memref<1x128xf32, #tpu.memory_space<vmem>>, %arg9: memref<2000x128xf32, #tpu.memory_space<vmem>>) attributes {dimension_semantics = [#tpu.dimension_semantics<arbitrary>], iteration_bounds = array<i64: 5>, scalar_prefetch = 0 : i64, scratch_operands = 0 : i64, tpu.core_type = #tpu.core_type<tc>, window_params = [{transform_indices = @transform_0, window_bounds = array<i64: 2, 2000, 128>}, {transform_indices = @transform_1, window_bounds = array<i64: 2000, 128>}, {pipeline_mode = #tpu.pipeline_mode<synchronous>, transform_indices = @transform_2, window_bounds = array<i64: 256, 128>}, {pipeline_mode = #tpu.pipeline_mode<synchronous>, transform_indices = @transform_3, window_bounds = array<i64: 1, 128>}, {pipeline_mode = #tpu.pipeline_mode<synchronous>, transform_indices = @transform_4, window_bounds = array<i64: 128, 128>}, {pipeline_mode = #tpu.pipeline_mode<synchronous>, transform_indices = @transform_5, window_bounds = array<i64: 1, 128>}, {pipeline_mode = #tpu.pipeline_mode<synchronous>, transform_indices = @transform_6, window_bounds = array<i64: 1, 128>}, {pipeline_mode = #tpu.pipeline_mode<synchronous>, transform_indices = @transform_7, window_bounds = array<i64: 1, 128>}, {transform_indices = @transform_8, window_bounds = array<i64: 2000, 128>}]} {
    %get3A = arith.constant 0 : index
    %get3A_0 = arith.constant 0 : index
    %get3A_1 = arith.constant 0 : index
    %get3A_2 = vector.load %arg1[%get3A, %get3A_0, %get3A_1] : memref<2x2000x128xf32, #tpu.memory_space<vmem>>, vector<1x2000x128xf32>
    %get3A_3 = vector.shape_cast %get3A_2 : vector<1x2000x128xf32> to vector<2000x128xf32>
    %get3A_4 = arith.constant 1 : index
    %get3A_5 = arith.constant 0 : index
    %get3A_6 = arith.constant 0 : index
    %get3A_7 = vector.load %arg1[%get3A_4, %get3A_5, %get3A_6] : memref<2x2000x128xf32, #tpu.memory_space<vmem>>, vector<1x2000x128xf32>
    %get3A_8 = vector.shape_cast %get3A_7 : vector<1x2000x128xf32> to vector<2000x128xf32>
    %add3A = arith.addf %get3A_3, %get3A_8 : vector<2000x128xf32>
    %get3A_9 = arith.constant 0 : index
    %get3A_10 = arith.constant 0 : index
    %get3A_11 = vector.load %arg2[%get3A_9, %get3A_10] : memref<2000x128xf32, #tpu.memory_space<vmem>>, vector<2000x128xf32>
    %get3A_12 = arith.constant 0 : index
    %get3A_13 = arith.constant 0 : index
    %get3A_14 = vector.load %arg3[%get3A_12, %get3A_13] : memref<256x128xf32, #tpu.memory_space<vmem>>, vector<128x128xf32>
    %dot_general3A = arith.constant dense<0.000000e+00> : vector<2000x128xf32>
    %dot_general3A_15 = tpu.matmul %add3A, %get3A_14, %dot_general3A {dimension_numbers = #tpu.dot_dimension_numbers<[1], [0], [0], [1], [0, 0, 1, 1], [], []>, transpose_lhs_hint = false} : vector<2000x128xf32>, vector<128x128xf32>, vector<2000x128xf32> -> vector<2000x128xf32>
    %get3A_16 = arith.constant 128 : index
    %get3A_17 = arith.constant 0 : index
    %get3A_18 = vector.load %arg3[%get3A_16, %get3A_17] : memref<256x128xf32, #tpu.memory_space<vmem>>, vector<128x128xf32>
    %dot_general3A_19 = arith.constant dense<0.000000e+00> : vector<2000x128xf32>
    %dot_general3A_20 = tpu.matmul %get3A_11, %get3A_18, %dot_general3A_19 {dimension_numbers = #tpu.dot_dimension_numbers<[1], [0], [0], [1], [0, 0, 1, 1], [], []>, transpose_lhs_hint = false} : vector<2000x128xf32>, vector<128x128xf32>, vector<2000x128xf32> -> vector<2000x128xf32>
    %add3A_21 = arith.addf %dot_general3A_15, %dot_general3A_20 : vector<2000x128xf32>
    %get3A_22 = arith.constant 0 : index
    %get3A_23 = arith.constant 0 : index
    %get3A_24 = vector.load %arg4[%get3A_22, %get3A_23] : memref<1x128xf32, #tpu.memory_space<vmem>>, vector<1x128xf32>
    %add3A_25 = vector.broadcast %get3A_24 : vector<1x128xf32> to vector<2000x128xf32>
    %add3A_26 = arith.addf %add3A_21, %add3A_25 : vector<2000x128xf32>
    %logistic3A = arith.negf %add3A_26 : vector<2000x128xf32>
    %logistic3A_27 = math.exp %logistic3A : vector<2000x128xf32>
    %logistic3A_28 = arith.constant 1.000000e+00 : f32
    %logistic3A_29 = vector.broadcast %logistic3A_28 : f32 to vector<2000x128xf32>
    %logistic3A_30 = arith.addf %logistic3A_29, %logistic3A_27 : vector<2000x128xf32>
    %logistic3A_31 = arith.divf %logistic3A_29, %logistic3A_30 : vector<2000x128xf32>
    %mul3A = arith.mulf %add3A_26, %logistic3A_31 : vector<2000x128xf32>
    %get3A_32 = arith.constant 0 : index
    %get3A_33 = arith.constant 0 : index
    %get3A_34 = vector.load %arg5[%get3A_32, %get3A_33] : memref<128x128xf32, #tpu.memory_space<vmem>>, vector<128x128xf32>
    %dot_general3A_35 = arith.constant dense<0.000000e+00> : vector<2000x128xf32>
    %dot_general3A_36 = tpu.matmul %mul3A, %get3A_34, %dot_general3A_35 {dimension_numbers = #tpu.dot_dimension_numbers<[1], [0], [0], [1], [0, 0, 1, 1], [], []>, transpose_lhs_hint = false} : vector<2000x128xf32>, vector<128x128xf32>, vector<2000x128xf32> -> vector<2000x128xf32>
    %get3A_37 = arith.constant 0 : index
    %get3A_38 = arith.constant 0 : index
    %get3A_39 = vector.load %arg6[%get3A_37, %get3A_38] : memref<1x128xf32, #tpu.memory_space<vmem>>, vector<1x128xf32>
    %add3A_40 = vector.broadcast %get3A_39 : vector<1x128xf32> to vector<2000x128xf32>
    %add3A_41 = arith.addf %dot_general3A_36, %add3A_40 : vector<2000x128xf32>
    %reduce_sum3A = arith.constant dense<0.000000e+00> : vector<2000xf32>
    %reduce_sum3A_42 = vector.multi_reduction <add>, %add3A_41, %reduce_sum3A [1] : vector<2000x128xf32> to vector<2000xf32>
    %broadcast_in_dim3A = vector.shape_cast %reduce_sum3A_42 : vector<2000xf32> to vector<2000x1xf32>
    %div3A = arith.constant 1.280000e+02 : f32
    %div3A_43 = vector.broadcast %div3A : f32 to vector<2000x1xf32>
    %div3A_44 = arith.divf %broadcast_in_dim3A, %div3A_43 : vector<2000x1xf32>
    %sub3A = vector.broadcast %div3A_44 : vector<2000x1xf32> to vector<2000x128xf32>
    %sub3A_45 = arith.subf %add3A_41, %sub3A : vector<2000x128xf32>
    %sub3A_46 = vector.broadcast %div3A_44 : vector<2000x1xf32> to vector<2000x128xf32>
    %sub3A_47 = arith.subf %add3A_41, %sub3A_46 : vector<2000x128xf32>
    %mul3A_48 = arith.mulf %sub3A_45, %sub3A_47 : vector<2000x128xf32>
    %reduce_sum3A_49 = arith.constant dense<0.000000e+00> : vector<2000xf32>
    %reduce_sum3A_50 = vector.multi_reduction <add>, %mul3A_48, %reduce_sum3A_49 [1] : vector<2000x128xf32> to vector<2000xf32>
    %broadcast_in_dim3A_51 = vector.shape_cast %reduce_sum3A_50 : vector<2000xf32> to vector<2000x1xf32>
    %div3A_52 = arith.constant 1.280000e+02 : f32
    %div3A_53 = vector.broadcast %div3A_52 : f32 to vector<2000x1xf32>
    %div3A_54 = arith.divf %broadcast_in_dim3A_51, %div3A_53 : vector<2000x1xf32>
    %sub3A_55 = vector.broadcast %div3A_44 : vector<2000x1xf32> to vector<2000x128xf32>
    %sub3A_56 = arith.subf %add3A_41, %sub3A_55 : vector<2000x128xf32>
    %add3A_57 = arith.constant 9.99999974E-6 : f32
    %add3A_58 = vector.broadcast %add3A_57 : f32 to vector<2000x1xf32>
    %add3A_59 = arith.addf %div3A_54, %add3A_58 : vector<2000x1xf32>
    %rsqrt3A = math.rsqrt %add3A_59 : vector<2000x1xf32>
    %mul3A_60 = vector.broadcast %rsqrt3A : vector<2000x1xf32> to vector<2000x128xf32>
    %mul3A_61 = arith.mulf %sub3A_56, %mul3A_60 : vector<2000x128xf32>
    %get3A_62 = arith.constant 0 : index
    %get3A_63 = arith.constant 0 : index
    %get3A_64 = vector.load %arg7[%get3A_62, %get3A_63] : memref<1x128xf32, #tpu.memory_space<vmem>>, vector<1x128xf32>
    %mul3A_65 = vector.broadcast %get3A_64 : vector<1x128xf32> to vector<2000x128xf32>
    %mul3A_66 = arith.mulf %mul3A_61, %mul3A_65 : vector<2000x128xf32>
    %get3A_67 = arith.constant 0 : index
    %get3A_68 = arith.constant 0 : index
    %get3A_69 = vector.load %arg8[%get3A_67, %get3A_68] : memref<1x128xf32, #tpu.memory_space<vmem>>, vector<1x128xf32>
    %add3A_70 = vector.broadcast %get3A_69 : vector<1x128xf32> to vector<2000x128xf32>
    %add3A_71 = arith.addf %mul3A_66, %add3A_70 : vector<2000x128xf32>
    %add3A_72 = arith.addf %add3A_71, %get3A_11 : vector<2000x128xf32>
    %swap3A = arith.constant 0 : index
    %swap3A_73 = arith.constant 0 : index
    %swap3A_74 = vector.load %arg9[%swap3A, %swap3A_73] : memref<2000x128xf32, #tpu.memory_space<vmem>>, vector<2000x128xf32>
    tpu.vector_store %arg9[%swap3A, %swap3A_73], %add3A_72 {strides = array<i32>} : memref<2000x128xf32, #tpu.memory_space<vmem>>, vector<2000x128xf32>,
    return
  }
  func.func @transform_0(%arg0: i32) -> (i32, i32, i32) {
    %c0_i32 = arith.constant 0 : i32
    %c0_i32_0 = arith.constant 0 : i32
    %c0_i32_1 = arith.constant 0 : i32
    return %c0_i32, %arg0, %c0_i32_0 : i32, i32, i32
  }
  func.func @transform_1(%arg0: i32) -> (i32, i32) {
    %c0_i32 = arith.constant 0 : i32
    %c0_i32_0 = arith.constant 0 : i32
    return %arg0, %c0_i32 : i32, i32
  }
  func.func @transform_2(%arg0: i32) -> (i32, i32) {
    %c0_i32 = arith.constant 0 : i32
    %c0_i32_0 = arith.constant 0 : i32
    %c0_i32_1 = arith.constant 0 : i32
    return %c0_i32, %c0_i32_0 : i32, i32
  }
  func.func @transform_3(%arg0: i32) -> (i32, i32) {
    %c0_i32 = arith.constant 0 : i32
    %c0_i32_0 = arith.constant 0 : i32
    %c0_i32_1 = arith.constant 0 : i32
    return %c0_i32, %c0_i32_0 : i32, i32
  }
  func.func @transform_4(%arg0: i32) -> (i32, i32) {
    %c0_i32 = arith.constant 0 : i32
    %c0_i32_0 = arith.constant 0 : i32
    %c0_i32_1 = arith.constant 0 : i32
    return %c0_i32, %c0_i32_0 : i32, i32
  }
  func.func @transform_5(%arg0: i32) -> (i32, i32) {
    %c0_i32 = arith.constant 0 : i32
    %c0_i32_0 = arith.constant 0 : i32
    %c0_i32_1 = arith.constant 0 : i32
    return %c0_i32, %c0_i32_0 : i32, i32
  }
  func.func @transform_6(%arg0: i32) -> (i32, i32) {
    %c0_i32 = arith.constant 0 : i32
    %c0_i32_0 = arith.constant 0 : i32
    %c0_i32_1 = arith.constant 0 : i32
    return %c0_i32, %c0_i32_0 : i32, i32
  }
  func.func @transform_7(%arg0: i32) -> (i32, i32) {
    %c0_i32 = arith.constant 0 : i32
    %c0_i32_0 = arith.constant 0 : i32
    %c0_i32_1 = arith.constant 0 : i32
    return %c0_i32, %c0_i32_0 : i32, i32
  }
  func.func @transform_8(%arg0: i32) -> (i32, i32) {
    %c0_i32 = arith.constant 0 : i32
    %c0_i32_0 = arith.constant 0 : i32
    return %arg0, %c0_i32 : i32, i32
  }
}

</mosaic_0001>

<sc_bundles>
// kernel: kernel.4.cloned.1.call-start
scs
__scs_entry_jumppad:
0x0: {  	(pc) =	sbr.rel $0x88, $3  }
0x1: {  	(tag) =	ssettag $0x0;
	lr =	simm.s32 $0x1  }
0x2: {  	[smem:$0x3F98] =	sst lr;
	_ =	strace $0xD0000000  }
0x3: {  	_ = 	snop  }
0x4: {  	_ = 	snop  }
0x5: {  	_ = 	snop  }
0x6: {  	_ = 	snop  }
0x7: {  	_ = 	snop  }
__scs_overlays_trampoline_lowered:
0x8: {  	[smem:$0x3FA7] =	sst s0  }
0x9: {  	[smem:$0x3FA8] =	sst s1  }
0xa: {  	[smem:$0x3FA9] =	sst s2  }
0xb: {  	[smem:$0x3FAA] =	sst s3  }
0xc: {  	[smem:$0x3FAB] =	sst s4  }
0xd: {  	[smem:$0x3FAC] =	sst s5  }
0xe: {  	[smem:$0x3FAD] =	sst s6  }
0xf: {  	[smem:$0x3FAE] =	sst s7  }
0x10: {  	[smem:$0x3FAF] =	sst s8  }
0x11: {  	[smem:$0x3FB0] =	sst s9;
	s0 =	simm.s32 @!p0 $0x0  }
0x12: {  	s1 =	sld [smem:$0x3F96];
	s0 =	simm.s32 @p0 $0x1  }
0x13: {  	[smem:$0x3FB1] =	sst s0;
	s0 =	simm.s32 @!p1 $0x0  }
0x14: {  	s2 =	sld [smem:$0x3F95];
	s0 =	simm.s32 @p1 $0x1  }
0x15: {  	[smem:$0x3FB2] =	sst s0;
	s0 =	simm.s32 @!p2 $0x0  }
0x16: {  	s3 =	sld [smem:$0x3FDB];
	s0 =	simm.s32 @p2 $0x1  }
0x17: {  	s4 =	simm.s32 $0x1BF5;
	[smem:$0x3FB4] =	sst s0  }
0x18: {  	s0 =	sld [smem:$0x3F97];
	_ =	swait.ge [sflag:s4], $0x0  }
0x19: {  	s7 =	sld [smem:$0x3F98]  }
0x1a: {  	s8 =	sadd.s32 $0xFFFFE003, lr  }
0x1b: {  	s9 =	sadd.s32 $0xFFFFFEF7, lr;
	s5 =	simm.s32 $0xFFFFFFFF;
	p2 =	slt.u32 s8, $0xFFFFF086  }
0x1c: {  	p1 =	slt.u32 s9, $0xF7A;
	s5 =	simm.s32 @!p2 $0x0  }
0x1d: {  	s5 =	simm.s32 @p1 $0x1;
	p0 =	seq.s32 s7, s2  }
0x1e: {  	s7 =	smul.u32 @!p0 $0xF7A, s2;
	p2 =	seq.s32 @!p0 s5, $0x0  }
0x1f: {  	s9 =	smul.u32 $0xF7A, s1;
	s8 =	simm.s32 @!p0 $0x1BF5;
	p2 =	por !p2, p0  }
0x20: {  	[sflag:s8] =	ssyncset.s32 @!p0 $0xFFFFF086;
	s6 =	sadd.s32 @!p0 s3, s7;
	s7 =	simm.s32 @!p0 $0x108  }
0x21: {  	s3 =	sadd.s32 s3, s9;
	s6 =	sadd.s32 @!p0 $0x88, s6;
	s7 =	simm.s32 @p2 $0x1082  }
0x22: {  	[simem:s7], [sflag:s8] =	dma.local @!p0 [hbm:s6], $0xF7A  }
0x23: {  	s9 =	sor.u32 $0xD0000000, s2;
	s6 =	simm.s32 $0x108;
	_ =	swait.ge @!p0 [sflag:s8], $0x0  }
0x24: {  	s3 =	sadd.s32 $0x88, s3;
	s6 =	simm.s32 @!p1 $0x1082;
	[sflag:s4] =	ssyncset.s32 $0xFFFFF086  }
0x25: {  	[simem:s6], [sflag:s4] =	dma.local [hbm:s3], $0xF7A  }
0x26: {  	[smem:$0x3F98] =	sst s1;
	(tag) =	ssettag s2;
	_ =	strace s9  }
0x27: {  	s1 =	sld [smem:$0x3FA8]  }
0x28: {  	s2 =	sld [smem:$0x3FA9]  }
0x29: {  	s4 =	sld [smem:$0x3FAB]  }
0x2a: {  	p0 =	seq.s32 s5, $0x0;
	s5 =	sld [smem:$0x3FAC]  }
0x2b: {  	s6 =	sld [smem:$0x3FAD]  }
0x2c: {  	s7 =	sld [smem:$0x3FAE]  }
0x2d: {  	s3 =	simm.s32 $0x108;
	s8 =	sld [smem:$0x3FAF]  }
0x2e: {  	s3 =	simm.s32 @!p0 $0x1082;
	s9 =	sld [smem:$0x3FB0]  }
0x2f: {  	lr =	sadd.s32 s0, s3;
	s0 =	sld [smem:$0x3FA7]  }
0x30: {  	s3 =	sld [smem:$0x3FAA]  }
0x31: {  	[smem:$0x3FB3] =	sst s10  }
0x32: {  	s10 =	sld [smem:$0x3FB1];
	_ =	sdelay $0x3  }
0x33: {  	p0 =	seq.s32 s10, $0x1;
	s10 =	sld [smem:$0x3FB3];
	_ =	sdelay $0x3  }
0x34: {  	[smem:$0x3FB3] =	sst s10  }
0x35: {  	s10 =	sld [smem:$0x3FB2];
	_ =	sdelay $0x3  }
0x36: {  	p1 =	seq.s32 s10, $0x1;
	s10 =	sld [smem:$0x3FB3];
	_ =	sdelay $0x3  }
0x37: {  	[smem:$0x3FB3] =	sst s10  }
0x38: {  	s10 =	sld [smem:$0x3FB4]  }
0x39: {  	_ = 	snop;
	(pc) =	sbr.ind lr, $3  }
0x3a: {  	_ = 	snop  }
0x3b: {  	_ = 	snop  }
0x3c: {  	p2 =	seq.s32 s10, $0x1;
	s10 =	sld [smem:$0x3FB3]  }
0x3d: {  	_ =	shalt  }
0x3e: {  	_ =	shalt  }
0x3f: {  	_ =	shalt  }
0x40: {  	_ =	shalt  }
0x41: {  	_ =	shalt  }
0x42: {  	_ =	shalt  }
0x43: {  	_ =	shalt  }
0x44: {  	_ =	shalt  }
0x45: {  	_ =	shalt  }
0x46: {  	_ =	shalt  }
0x47: {  	_ =	shalt  }
0x48: {  	_ =	shalt  }
0x49: {  	_ =	shalt  }
0x4a: {  	_ =	shalt  }
0x4b: {  	_ =	shalt  }
0x4c: {  	_ =	shalt  }
0x4d: {  	_ =	shalt  }
0x4e: {  	_ =	shalt  }
0x4f: {  	_ =	shalt  }
0x50: {  	_ =	shalt  }
0x51: {  	_ =	shalt  }
0x52: {  	_ =	shalt  }
0x53: {  	_ =	shalt  }
0x54: {  	_ =	shalt  }
0x55: {  	_ =	shalt  }
0x56: {  	_ =	shalt  }
0x57: {  	_ =	shalt  }
0x58: {  	_ =	shalt  }
0x59: {  	_ =	shalt  }
0x5a: {  	_ =	shalt  }
0x5b: {  	_ =	shalt  }
0x5c: {  	_ =	shalt  }
0x5d: {  	_ =	shalt  }
0x5e: {  	_ =	shalt  }
0x5f: {  	_ =	shalt  }
0x60: {  	_ =	shalt  }
0x61: {  	_ =	shalt  }
0x62: {  	_ =	shalt  }
0x63: {  	_ =	shalt  }
0x64: {  	_ =	shalt  }
0x65: {  	_ =	shalt  }
0x66: {  	_ =	shalt  }
0x67: {  	_ =	shalt  }
0x68: {  	_ =	shalt  }
0x69: {  	_ =	shalt  }
0x6a: {  	_ =	shalt  }
0x6b: {  	_ =	shalt  }
0x6c: {  	_ =	shalt  }
0x6d: {  	_ =	shalt  }
0x6e: {  	_ =	shalt  }
0x6f: {  	_ =	shalt  }
0x70: {  	_ =	shalt  }
0x71: {  	_ =	shalt  }
0x72: {  	_ =	shalt  }
0x73: {  	_ =	shalt  }
0x74: {  	_ =	shalt  }
0x75: {  	_ =	shalt  }
0x76: {  	_ =	shalt  }
0x77: {  	_ =	shalt  }
0x78: {  	_ =	shalt  }
0x79: {  	_ =	shalt  }
0x7a: {  	_ =	shalt  }
0x7b: {  	_ =	shalt  }
0x7c: {  	_ =	shalt  }
0x7d: {  	_ =	shalt  }
0x7e: {  	_ =	shalt  }
0x7f: {  	_ =	shalt  }
0x80: {  	_ =	shalt  }
0x81: {  	_ =	shalt  }
0x82: {  	_ =	shalt  }
0x83: {  	_ =	shalt  }
0x84: {  	_ =	shalt  }
0x85: {  	_ =	shalt  }
0x86: {  	_ =	shalt  }
0x87: {  	_ =	shalt  }
.Lfunc_end0:
.L_simem_size_0:
called_computation_lowered:
.L_overlay_start_0:
0x88: {  	s2 =	sld [smem:$0x3FD9]  }
0x89: {  	s3 =	sld [smem:$0x3FFE];
	_ =	sdelay $0x1  }
0x8a: {  	s1 =	srdreg.scid  }
0x8b: {  	s0 =	sand.u32 $0x1, s1  }
0x8c: {  	s14 =	sshll.u32 s0, $0xA;
	s2 =	sadd.s32 s3, s2  }
0x8d: {  	s2 =	sadd.s32 s2, s14  }
0x8e: {  	[smem:$0x3FBF] =	sst s2  }
0x8f: {  	_ = 	snop  }
0x90: {  	s2 =	sld [smem:$0x3FD0];
	_ =	sdelay $0x1  }
0x91: {  	s15 =	sld [smem:$0x3FC9]  }
0x92: {  	s5 =	simm.s32 $0xA;
	s6 =	simm.s32 $0x10;
	s4 =	sld [smem:$0x3FC7]  }
0x93: {  	[smem:s6], [sflag:s5] =	dma.local [hbm:s2], $0x1  }
0x94: {  	_ =	swait.eq [sflag:s5], $0x1  }
0x95: {  	[sflag:s5] =	ssyncset.done $0x0  }
0x96: {  	[sflag:s5] =	ssyncadd.s32 $0xFFFFFFFF  }
0x97: {  	s16 =	sld [smem:$0x10];
	(tm) =	ssettm $0x1  }
0x98: {  	s17 =	sld [smem:$0x3FFB];
	_ =	sdelay $0x3  }
0x99: {  	_ =	strace s17  }
0x9a: {  	s5 =	sld [smem:$0x3FFC];
	_ =	sdelay $0x3  }
0x9b: {  	_ =	strace s5  }
0x9c: {  	s5 =	sld [smem:$0x3FFD];
	_ =	sdelay $0x3  }
0x9d: {  	_ =	strace s5  }
0x9e: {  	_ =	strace $0x8FFFFFFF  }
0x9f: {  	s18 =	sld [smem:$0x3FDB];
	_ =	sdelay $0x1  }
0xa0: {  	s19 =	simm.s32 $_scs_section_size  }
0xa1: {  	s7 =	simm.s32 $_size__tile_overlayer_lowered;
	s8 =	simm.s32 $_tile_overlayer_lowered  }
0xa2: {  	s22 =	simm.s32 $0x1BFF;
	s21 =	sshll.u32 s8, $0x1;
	s5 =	sadd.s32 s19, s18  }
0xa3: {  	s9 =	simm.s32 $0x0;
	s20 =	sshll.u32 s7, $0x1;
	s7 =	sadd.s32 s21, s5  }
0xa4: {  	[timem:s9], [sflag:s22] =	dma.local [hbm:s7], s20  }
0xa5: {  	_ =	swait.ge [sflag:s22], s20  }
0xa6: {  	s6 =	ssub.s32 $0x0, s20;
	[sflag:s22] =	ssyncset.done $0x0  }
0xa7: {  	[sflag:s22] =	ssyncadd.s32 s6;
	_ =	sdelay $0x1  }
0xa8: {  	s23 =	simm.s32 $0x1B8B  }
0xa9: {  	_ =	swait.ge [sflag:s23], $0x1  }
0xaa: {  	[sflag:s23] =	ssyncset.done $0x0  }
0xab: {  	s25 =	simm.s32 $0x1B8E;
	s24 =	sld [smem:$0x3FFE];
	[sflag:s23] =	ssyncadd.s32 $0xFFFFFFFF  }
0xac: {  	s26 =	simm.s32 $execute0_lowered;
	[smem:$0x3FD2] =	sst s25  }
0xad: {  	s7 =	sshll.u32 s26, $0x1;
	_ =	strace $0x80000046;
	[dreg:$0x1] =	wrdreg $0xFFFFFFFF  }
0xae: {  	s28 =	simm.s32 $_size_execute0_lowered;
	s5 =	sadd.s32 s5, s7;
	[dreg:$0x0] =	wrdreg $0x0  }
0xaf: {  	s7 =	sshll.u32 s28, $0x1;
	[dreg:$0x2] =	wrdreg s5  }
0xb0: {  	[dreg:$0x3] =	wrdreg s7  }
0xb1: {  	[dreg:$0x4] =	wrdreg $0xC0  }
0xb2: {  	_ =	task [dreg:s9], $0x5FFFF  }
0xb3: {  	[dreg:$0x1] =	wrdreg $0xFFFFFFFF  }
0xb4: {  	[dreg:$0x0] =	wrdreg $0x60  }
0xb5: {  	[dreg:$0x2] =	wrdreg s15  }
0xb6: {  	[dreg:$0x3] =	wrdreg s4  }
0xb7: {  	[dreg:$0x4] =	wrdreg s24  }
0xb8: {  	[dreg:$0x5] =	wrdreg s16  }
0xb9: {  	[dreg:$0x6] =	wrdreg $0xC2000  }
0xba: {  	[dreg:$0x7] =	wrdreg $0x9  }
0xbb: {  	_ =	task.clear_ibuf [dreg:s9], $0x8FFFF;
	_ =	strace $0x90000046  }
0xbc: {  	s29 =	simm.s32 $0x9;
	_ =	strace $0x80000048  }
0xbd: {  	_ =	swait.ge [sflag:s29], $0x1  }
0xbe: {  	[sflag:s29] =	ssyncadd.s32 $0xFFFFFFFF  }
0xbf: {  	_ =	strace $0x90000048  }
0xc0: {  	_ =	sfence  }
0xc1: {  	s30 =	sld [smem:$0x0];
	_ =	sdelay $0x2  }
0xc2: {  	s31 =	sshll.u32 s1, $0xD;
	s1 =	sshrl.u32 s1, $0x2  }
0xc3: {  	s3 =	sand.u32 $0x4000, s31;
	s1 =	sadd.s32 s1, s30  }
0xc4: {  	s0 =	sor.u32 s3, s0;
	s1 =	sshll.u32 s1, $0x11  }
0xc5: {  	s0 =	sor.u32 s1, s0  }
0xc6: {  	s0 =	sadd.s32 $0x8F2B, s0  }
0xc7: {  	[sflag:s0] =	ssyncadd.remote.s32 $0x1  }
0xc8: {  	_ =	sfence.sel $0xFFFF  }
0xc9: {  	[dreg:$0x0] =	wrdreg $0xFFFFFFFF;
	(pc) =	sbr.abs _section_cstart, $3  }
0xca: {  	[dreg:$0x1] =	wrdreg $0xFFFFFFFF  }
0xcb: {  	_ =	task.clear_ibuf [dreg:s9], $0x2FFFF;
	_ =	strace $0x9FFFFFFF  }
0xcc: {  	(tm) =	ssettm $0x7FFFFFFF  }
0xcd: {  	_ =	shalt  }
tec
execute0_lowered:
.L_overlay_start_1:
0x0: {  	(tag) =	ssettag $0x1  }
0x1: {  	s0 =	rddreg [dreg:$0x0]  }
0x2: {  	s3 =	rddreg [dreg:$0x1]  }
0x3: {  	s4 =	rddreg [dreg:$0x2]  }
0x4: {  	s5 =	rddreg [dreg:$0x3]  }
0x5: {  	s1 =	rddreg [dreg:$0x4];
	s2 =	simm.s32 $0x0;
	s6 =	srdreg.scid  }
0x6: {  	s22 =	stileid.u32;
	s28 =	simm.s32 $0x0;
	[smem:$0x7FF] =	sst s2  }
0x7: {  	s6 =	sand.u32 $0x1, s6;
	s4 =	sadd.s32 $0x1800, s4;
	s12 =	smul.u32 $0x4E000, s22  }
0x8: {  	s24 =	sadd.s32 $0x134800, s1;
	s26 =	sshll.u32 s22, $0x4;
	s30 =	sshll.u32 s22, $0xB  }
0x9: {  	p0 =	seq.s32 s22, $0xF;
	_ =	strace $0x80000047;
	s7 =	ssub.s32 $0x2, s6  }
0xa: {  	s8 =	sshll.u32 s6, $0x4;
	s13 =	smul.u32 $0x138800, s6;
	[dreg:$0xe] =	wrdreg s24  }
0xb: {  	s25 =	sshll.u32 s6, $0x8;
	s29 =	sshll.u32 s6, $0xF;
	s24 =	simm.s32 $0x8200  }
0xc: {  	s9 =	sshrl.u32 s7, $0x1;
	s17 =	sor.u32 s22, s8;
	s19 =	sshrl.u32 s12, $0x2  }
0xd: {  	s31 =	sadd.s32 s29, s5;
	s7 =	ssub.s32 s7, s9;
	s8 =	sshll.u32 s17, $0x4  }
0xe: {  	s14 =	sor.u32 $0x20, s17;
	s10 =	sshll.u32 s17, $0xB;
	s8 =	sadd.s32 s3, s8  }
0xf: {  	s11 =	sshll.u32 s14, $0x4;
	s15 =	sadd.s32 s0, s10;
	[dreg:$0x6] =	wrdreg s8  }
0x10: {  	s18 =	sshll.u32 s14, $0xB;
	s14 =	smul.u32 $0x13800, s22;
	[dreg:$0x7] =	wrdreg s15  }
0x11: {  	s16 =	sadd.s32 s3, s11;
	s8 =	sadd.s32 s0, s18;
	s15 =	sshrl.u32 s13, $0x3  }
0x12: {  	s3 =	sadd.s32 s25, s3;
	s0 =	sadd.s32 s29, s0;
	[dreg:$0x8] =	wrdreg s16  }
0x13: {  	[dreg:$0x9] =	wrdreg s8;
	s8 =	sadd.s32 s19, s1;
	s14 =	sadd.s32 s14, s13  }
0x14: {  	s15 =	sadd.s32 s4, s15;
	s16 =	smax.u32 s7, $0x1;
	s3 =	sadd.s32 s26, s3  }
0x15: {  	s18 =	sadd.s32 s30, s0;
	s19 =	sor.u32 $0x80, s17;
	s9 =	sadd.s32 $0x4000, s8  }
0x16: {  	s26 =	simm.s32 $0x7;
	s20 =	sadd.s32 $0x8000, s8;
	[dreg:$0xa] =	wrdreg s9  }
0x17: {  	s21 =	sadd.s32 $0xC000, s8;
	s23 =	sadd.s32 $0x10000, s8;
	[dreg:$0xb] =	wrdreg s20  }
0x18: {  	s14 =	sshrl.u32 s14, $0x3;
	s15 =	sadd.s32 $0x24900, s15;
	[dreg:$0xc] =	wrdreg s21  }
0x19: {  	[dreg:$0xd] =	wrdreg s23;
	s14 =	sadd.s32 s4, s14;
	s21 =	sadd.s32 $0x124800, s1  }
0x1a: {  	v0 =	vimm.f32 $0.0e+00;
	s23 =	sadd.s32 $0x800, s3;
	s20 =	sadd.s32 s30, s31;
	s25 =	sshrl.u32 @p0 s21, $0x3  }
.LBB2_1:
0x1b: {  	s0 =	rddreg [dreg:$0x6]  }
0x1c: {  	s21 =	rddreg [dreg:$0x7]  }
0x1d: {  	[tilespmem:s2], [sflag:$0x1] =	stream.linear.gather [hbm4b:s0+s2], $0x80, $0x38;
	[tilespmem:$0x1FA80] =	vst v63  }
0x1e: {  	s3 =	simm.s32 $0x200;
	s22 =	rddreg [dreg:$0x8]  }
0x1f: {  	[tilespmem:s3], [sflag:$0x1] =	stream.linear.gather [hbm4b:s21+s2], $0x4000, $0x38;
	[tilespmem:$0x1FA80] =	vst v63  }
0x20: {  	s29 =	simm.s32 $0x80;
	s30 =	rddreg [dreg:$0x9]  }
0x21: {  	[tilespmem:s29], [sflag:$0x2] =	stream.linear.gather [hbm4b:s22+s2], $0x80, $0x38;
	[tilespmem:$0x1FA80] =	vst v63  }
0x22: {  	s31 =	simm.s32 $0x4200;
	s0 =	simm.s32 $0x0;
	s3 =	simm.s32 $0x200  }
0x23: {  	[tilespmem:s31], [sflag:$0x2] =	stream.linear.gather [hbm4b:s30+s2], $0x4000, $0x38;
	[tilespmem:$0x1FA80] =	vst v63  }
.LBB2_2:
0x24: {  	p1 =	sne.s32 s3, $0xFE00;
	[tilespmem:s0+$0x8270] =	vst v0  }
0x25: {  	[tilespmem:s0+$0x8200] =	vst v0  }
0x26: {  	[tilespmem:s0+$0x8210] =	vst v0  }
.Ltmp0:
0x27: {  	[tilespmem:s0+$0x8220] =	vst v0;
	(pc) =	sbr.rel @p1 .LBB2_2-.Ltmp0, $4  }
0x28: {  	[tilespmem:s0+$0x8230] =	vst v0  }
0x29: {  	[tilespmem:s0+$0x8240] =	vst v0  }
0x2a: {  	[tilespmem:s0+$0x8250] =	vst v0  }
0x2b: {  	[tilespmem:s0+$0x8260] =	vst v0;
	s0 =	sshra.s32 s3, $0x2;
	s3 =	sadd.s32 $0x200, s3  }
0x2c: {  	[tilespmem:s0+$0x8270] =	vst v0  }
0x2d: {  	[tilespmem:s0+$0x8200] =	vst v0  }
0x2e: {  	[tilespmem:s0+$0x8210] =	vst v0  }
0x2f: {  	[tilespmem:s0+$0x8220] =	vst v0  }
0x30: {  	[tilespmem:s0+$0x8230] =	vst v0  }
0x31: {  	[tilespmem:s0+$0x8240] =	vst v0  }
0x32: {  	[tilespmem:s0+$0x8250] =	vst v0  }
0x33: {  	[tilespmem:s0+$0x8260] =	vst v0  }
0x34: {  	[spmem:s8] =	stream.linear.scatter [tilespmem:s24], [sflag:$0x7], $0x4000, $0x38;
	[tilespmem:$0x1FA80] =	vst v63  }
0x35: {  	_ =	swait.ge [sflag:s26], $0x4000  }
0x36: {  	[sflag:s26] =	ssyncset.done $0x0  }
0x37: {  	s7 =	rddreg [dreg:$0xa];
	[sflag:s26] =	ssyncadd.s32 $0xFFFFC000  }
0x38: {  	[spmem:s7] =	stream.linear.scatter [tilespmem:s24], [sflag:$0x7], $0x4000, $0x38;
	[tilespmem:$0x1FA80] =	vst v63  }
0x39: {  	_ =	swait.ge [sflag:s26], $0x4000  }
0x3a: {  	[sflag:s26] =	ssyncset.done $0x0  }
0x3b: {  	s9 =	rddreg [dreg:$0xb];
	[sflag:s26] =	ssyncadd.s32 $0xFFFFC000  }
0x3c: {  	[spmem:s9] =	stream.linear.scatter [tilespmem:s24], [sflag:$0x7], $0x4000, $0x38;
	[tilespmem:$0x1FA80] =	vst v63  }
0x3d: {  	_ =	swait.ge [sflag:s26], $0x4000  }
0x3e: {  	[sflag:s26] =	ssyncset.done $0x0  }
0x3f: {  	s10 =	rddreg [dreg:$0xc];
	[sflag:s26] =	ssyncadd.s32 $0xFFFFC000  }
0x40: {  	[spmem:s10] =	stream.linear.scatter [tilespmem:s24], [sflag:$0x7], $0x4000, $0x38;
	[tilespmem:$0x1FA80] =	vst v63  }
0x41: {  	_ =	swait.ge [sflag:s26], $0x4000  }
0x42: {  	[sflag:s26] =	ssyncset.done $0x0  }
0x43: {  	s0 =	simm.s32 @p0 $0x8200;
	s3 =	rddreg [dreg:$0xe];
	[sflag:s26] =	ssyncadd.s32 $0xFFFFC000  }
0x44: {  	[spmem:s3] =	stream.linear.scatter @p0 [tilespmem:s0], [sflag:$0x7], $0x4000, $0x38;
	[tilespmem:$0x1FA80] =	vst v63  }
0x45: {  	s0 =	simm.s32 @p0 $0x7  }
0x46: {  	_ =	swait.ge @p0 [sflag:s0], $0x4000  }
0x47: {  	[sflag:s0] =	ssyncset.done @p0 $0x0  }
0x48: {  	s3 =	rddreg [dreg:$0xd];
	[sflag:s0] =	ssyncadd.s32 @p0 $0xFFFFC000;
	s0 =	simm.s32 @!p0 $0x8200  }
0x49: {  	[spmem:s3] =	stream.linear.scatter @!p0 [tilespmem:s0], [sflag:$0x7], $0x3800, $0x38;
	[tilespmem:$0x1FA80] =	vst v63  }
0x4a: {  	s0 =	simm.s32 @!p0 $0x7  }
0x4b: {  	_ =	swait.ge @!p0 [sflag:s0], $0x3800  }
0x4c: {  	s11 =	sadd.s32 $0xFFFFFF80, s19;
	[sflag:s0] =	ssyncset.done @!p0 $0x0  }
0x4d: {  	p3 =	sgt.u32 s11, $0x9C3;
	[sflag:s0] =	ssyncadd.s32 @!p0 $0xFFFFC800  }
0x4e: {  	s0 =	simm.s32 @!p3 $0x1;
	[bflag:$0x0] =	sbarrier.arrive $0xFFFF  }
0x4f: {  	_ =	swait.ge @!p3 [sflag:s0], $0x80  }
0x50: {  	[sflag:s0] =	ssyncset.done @!p3 $0x0  }
0x51: {  	[sflag:s0] =	ssyncadd.s32 @!p3 $0xFFFFFF80  }
0x52: {  	_ =	swait.ge @!p3 [sflag:s0], $0x4000  }
0x53: {  	s4 =	simm.s32 @!p3 $0x200;
	s5 =	simm.s32 @!p3 $0x0;
	[sflag:s0] =	ssyncset.done @!p3 $0x0  }
0x54: {  	s3 =	simm.s32 @!p3 $0x7;
	[sflag:s0] =	ssyncadd.s32 @!p3 $0xFFFFC000;
	s0 =	simm.s32 @!p3 $0x80  }
0x55: {  	[spmem:s1] =	stream.indirect.scatter.add.f32 @!p3 [tilespmem:s4], [sflag:$0x7], $0x80, s5, s0, $0xb8;
	[tilespmem:$0x1FA80] =	vst v63  }
0x56: {  	p4 =	por $0x1, $0x1;
	s6 =	sadd.s32 $0xFFFFFFC0, s19;
	_ =	swait.ge @!p3 [sflag:s3], $0x4000  }
0x57: {  	s12 =	sadd.s32 $0xFFFFFFA0, s19;
	p1 =	sgt.u32 s6, $0x9C3;
	[sflag:s3] =	ssyncset.done @!p3 $0x0  }
0x58: {  	s6 =	simm.s32 @!p4 $0x6;
	s0 =	sadd.s32 @!p3 $0x0, s20;
	[sflag:s3] =	ssyncadd.s32 @!p3 $0xFFFFC000  }
0x59: {  	[hbm4b:s0+s5] =	stream.linear.scatter @!p3 [tilespmem:s4], [sflag:$0x4], $0x4000, $0x38;
	[tilespmem:$0x1FA80] =	vst v63  }
0x5a: {  	p2 =	sgt.u32 s12, $0x9C3;
	_ =	swait.ge @!p4 [sflag:s6], $0x4000  }
0x5b: {  	s21 =	simm.s32 @!p1 $0x0;
	s3 =	sadd.s32 @!p1 $0x0, s18;
	[sflag:s6] =	ssyncset.done @!p4 $0x0  }
0x5c: {  	s4 =	simm.s32 @!p1 $0x100;
	s0 =	sadd.s32 @!p1 $0xFFFFFC00, s23;
	[sflag:s6] =	ssyncadd.s32 @!p4 $0xFFFFC000  }
0x5d: {  	[tilespmem:s4], [sflag:$0x3] =	stream.linear.gather @!p1 [hbm4b:s0+s21], $0x80, $0x38;
	[tilespmem:$0x1FA80] =	vst v63  }
0x5e: {  	s5 =	simm.s32 @!p2 $0x2;
	s0 =	sadd.s32 @!p1 $0x20000, s3;
	s3 =	simm.s32 @!p1 $0x8200  }
0x5f: {  	[tilespmem:s3], [sflag:$0x3] =	stream.linear.gather @!p1 [hbm4b:s0+s21], $0x4000, $0x38;
	[tilespmem:$0x1FA80] =	vst v63  }
0x60: {  	_ =	swait.ge @!p2 [sflag:s5], $0x80  }
0x61: {  	[sflag:s5] =	ssyncset.done @!p2 $0x0  }
0x62: {  	[sflag:s5] =	ssyncadd.s32 @!p2 $0xFFFFFF80  }
0x63: {  	_ =	swait.ge @!p2 [sflag:s5], $0x4000  }
0x64: {  	s7 =	simm.s32 @!p2 $0x7;
	[sflag:s5] =	ssyncset.done @!p2 $0x0  }
0x65: {  	s6 =	simm.s32 @!p2 $0x4200;
	s0 =	simm.s32 @!p2 $0x80;
	[sflag:s5] =	ssyncadd.s32 @!p2 $0xFFFFC000  }
0x66: {  	[spmem:s1] =	stream.indirect.scatter.add.f32 @!p2 [tilespmem:s6], [sflag:$0x7], $0x80, s0, s0, $0xb8;
	[tilespmem:$0x1FA80] =	vst v63  }
0x67: {  	s13 =	sadd.s32 $0xFFFFFFE0, s19;
	_ =	swait.ge @!p2 [sflag:s7], $0x4000  }
0x68: {  	s17 =	simm.s32 @!p2 $0x0;
	s0 =	sadd.s32 @!p2 $0x0, s20;
	[sflag:s7] =	ssyncset.done @!p2 $0x0  }
0x69: {  	s22 =	simm.s32 @!p3 $0x4;
	s0 =	sadd.s32 @!p2 $0x10000, s0;
	[sflag:s7] =	ssyncadd.s32 @!p2 $0xFFFFC000  }
0x6a: {  	[hbm4b:s0+s17] =	stream.linear.scatter @!p2 [tilespmem:s6], [sflag:$0x5], $0x4000, $0x38;
	[tilespmem:$0x1FA80] =	vst v63  }
0x6b: {  	p4 =	sgt.u32 s13, $0x9C3;
	_ =	swait.ge @!p3 [sflag:s22], $0x4000  }
0x6c: {  	s5 =	sadd.s32 @!p4 $0xFFFFFE00, s23;
	[sflag:s22] =	ssyncset.done @!p3 $0x0  }
0x6d: {  	s0 =	sadd.s32 @!p4 $0x0, s18;
	s6 =	simm.s32 @!p4 $0x0;
	[sflag:s22] =	ssyncadd.s32 @!p3 $0xFFFFC000  }
0x6e: {  	[tilespmem:s6], [sflag:$0x1] =	stream.linear.gather @!p4 [hbm4b:s5+s6], $0x80, $0x38;
	[tilespmem:$0x1FA80] =	vst v63  }
0x6f: {  	s7 =	simm.s32 @!p1 $0x3;
	s0 =	sadd.s32 @!p4 $0x30000, s0;
	s5 =	simm.s32 @!p4 $0x200  }
0x70: {  	[tilespmem:s5], [sflag:$0x1] =	stream.linear.gather @!p4 [hbm4b:s0+s6], $0x4000, $0x38;
	[tilespmem:$0x1FA80] =	vst v63  }
0x71: {  	s29 =	simm.s32 $0x30000;
	s31 =	sadd.s32 $0x60, s19;
	_ =	swait.ge @!p1 [sflag:s7], $0x80  }
0x72: {  	s30 =	sadd.s32 $0x600, s23;
	p5 =	sgt.u32 s31, $0x9C3;
	[sflag:s7] =	ssyncset.done @!p1 $0x0  }
0x73: {  	s17 =	smov.u32 s23;
	p3 =	sgt.u32 s19, $0x9C3;
	[sflag:s7] =	ssyncadd.s32 @!p1 $0xFFFFFF80  }
0x74: {  	s22 =	simm.s32 $0x60000;
	s0 =	sadd.s32 @!p3 $0x0, s18;
	_ =	swait.ge @!p1 [sflag:s7], $0x4000  }
0x75: {  	p3 =	por p3, p3;
	s5 =	sadd.s32 @!p1 $0x0, s20;
	[sflag:s7] =	ssyncset.done @!p1 $0x0  }
0x76: {  	s6 =	simm.s32 @!p1 $0x80;
	[sflag:s7] =	ssyncadd.s32 @!p1 $0xFFFFC000;
	s7 =	simm.s32 @!p1 $0x7  }
0x77: {  	[spmem:s1] =	stream.indirect.scatter.add.f32 @!p1 [tilespmem:s3], [sflag:$0x7], $0x80, s4, s6, $0xb8;
	[tilespmem:$0x1FA80] =	vst v63  }
0x78: {  	s6 =	sadd.s32 @!p1 $0x20000, s5;
	s4 =	sadd.s32 @!p5 $0x30000, s18;
	_ =	swait.ge @!p1 [sflag:s7], $0x4000  }
.LBB2_4:
0x79: {  	[sflag:s7] =	ssyncset.done @!p1 $0x0  }
0x7a: {  	s9 =	simm.s32 @!p2 $0x5;
	s5 =	smov.u32 s22;
	s22 =	sadd.s32 $0x30000, s22  }
0x7b: {  	p4 =	sne.s32 s22, $0x510000;
	[sflag:s7] =	ssyncadd.s32 @!p1 $0xFFFFC000  }
0x7c: {  	[hbm4b:s6+s21] =	stream.linear.scatter @!p1 [tilespmem:s3], [sflag:$0x6], $0x4000, $0x38;
	[tilespmem:$0x1FA80] =	vst v63  }
0x7d: {  	s3 =	simm.s32 @!p3 $0x80;
	_ =	swait.ge @!p2 [sflag:s9], $0x4000  }
0x7e: {  	s7 =	simm.s32 @!p3 $0x0;
	s6 =	sadd.s32 $0xFFFFFF80, s31;
	[sflag:s9] =	ssyncset.done @!p2 $0x0  }
0x7f: {  	[sflag:s9] =	ssyncadd.s32 @!p2 $0xFFFFC000  }
0x80: {  	[tilespmem:s3], [sflag:$0x2] =	stream.linear.gather @!p3 [hbm4b:s17+s7], $0x80, $0x38;
	[tilespmem:$0x1FA80] =	vst v63  }
0x81: {  	s0 =	sadd.s32 @!p3 $0x40000, s0;
	p6 =	sgt.u32 s6, $0x9C3;
	s3 =	simm.s32 @!p3 $0x4200  }
0x82: {  	[tilespmem:s3], [sflag:$0x2] =	stream.linear.gather @!p3 [hbm4b:s0+s7], $0x4000, $0x38;
	[tilespmem:$0x1FA80] =	vst v63  }
0x83: {  	s17 =	smov.u32 s30;
	s3 =	simm.s32 @!p6 $0x1;
	s0 =	smov.u32 s4  }
0x84: {  	p3 =	por p5, p5;
	_ =	swait.ge @!p6 [sflag:s3], $0x80  }
0x85: {  	s4 =	sadd.s32 @!p6 s29, s20;
	[sflag:s3] =	ssyncset.done @!p6 $0x0  }
0x86: {  	s6 =	simm.s32 @!p6 $0x7;
	p5 =	seq.s32 s29, $0x0;
	[sflag:s3] =	ssyncadd.s32 @!p6 $0xFFFFFF80  }
0x87: {  	s9 =	sadd.s32 $0xFFFFFFA0, s31;
	s7 =	sadd.s32 $0xFFFFFFC0, s31;
	_ =	swait.ge @!p6 [sflag:s3], $0x4000  }
0x88: {  	s10 =	simm.s32 @!p6 $0x200;
	p1 =	sgt.u32 s7, $0x9C3;
	[sflag:s3] =	ssyncset.done @!p6 $0x0  }
0x89: {  	s7 =	simm.s32 @!p6 $0x0;
	[sflag:s3] =	ssyncadd.s32 @!p6 $0xFFFFC000;
	s3 =	simm.s32 @!p6 $0x80  }
0x8a: {  	[spmem:s1] =	stream.indirect.scatter.add.f32 @!p6 [tilespmem:s10], [sflag:$0x7], $0x80, s7, s3, $0xb8;
	[tilespmem:$0x1FA80] =	vst v63  }
0x8b: {  	s11 =	sadd.s32 @!p1 s29, s18;
	s3 =	simm.s32 @!p5 $0x6;
	_ =	swait.ge @!p6 [sflag:s6], $0x4000  }
0x8c: {  	p2 =	sgt.u32 s9, $0x9C3;
	s21 =	simm.s32 @!p1 $0x0;
	[sflag:s6] =	ssyncset.done @!p6 $0x0  }
0x8d: {  	s9 =	sadd.s32 @!p1 $0x20000, s11;
	[sflag:s6] =	ssyncadd.s32 @!p6 $0xFFFFC000;
	s6 =	sadd.s32 @!p1 s29, s20  }
0x8e: {  	[hbm4b:s4+s7] =	stream.linear.scatter @!p6 [tilespmem:s10], [sflag:$0x4], $0x4000, $0x38;
	[tilespmem:$0x1FA80] =	vst v63  }
0x8f: {  	s4 =	simm.s32 @!p1 $0x100;
	s6 =	sadd.s32 @!p1 $0x20000, s6;
	_ =	swait.ge @!p5 [sflag:s3], $0x4000  }
0x90: {  	s7 =	sadd.s32 @!p2 s29, s20;
	[sflag:s3] =	ssyncset.done @!p5 $0x0  }
0x91: {  	s7 =	sadd.s32 @!p2 $0x10000, s7;
	[sflag:s3] =	ssyncadd.s32 @!p5 $0xFFFFC000;
	s3 =	sadd.s32 @!p1 $0xFFFFFC00, s30  }
0x92: {  	[tilespmem:s4], [sflag:$0x3] =	stream.linear.gather @!p1 [hbm4b:s3+s21], $0x80, $0x38;
	[tilespmem:$0x1FA80] =	vst v63  }
0x93: {  	s10 =	simm.s32 @!p2 $0x2;
	s3 =	simm.s32 @!p1 $0x8200  }
0x94: {  	[tilespmem:s3], [sflag:$0x3] =	stream.linear.gather @!p1 [hbm4b:s9+s21], $0x4000, $0x38;
	[tilespmem:$0x1FA80] =	vst v63  }
0x95: {  	s11 =	simm.s32 @!p2 $0x4200;
	s9 =	simm.s32 @!p2 $0x80;
	_ =	swait.ge @!p2 [sflag:s10], $0x80  }
0x96: {  	s12 =	simm.s32 @!p2 $0x7;
	[sflag:s10] =	ssyncset.done @!p2 $0x0  }
0x97: {  	[sflag:s10] =	ssyncadd.s32 @!p2 $0xFFFFFF80  }
0x98: {  	_ =	swait.ge @!p2 [sflag:s10], $0x4000  }
0x99: {  	s13 =	sadd.s32 $0xFFFFFFE0, s31;
	[sflag:s10] =	ssyncset.done @!p2 $0x0  }
0x9a: {  	[sflag:s10] =	ssyncadd.s32 @!p2 $0xFFFFC000  }
0x9b: {  	[spmem:s1] =	stream.indirect.scatter.add.f32 @!p2 [tilespmem:s11], [sflag:$0x7], $0x80, s9, s9, $0xb8;
	[tilespmem:$0x1FA80] =	vst v63  }
0x9c: {  	p5 =	sgt.u32 s13, $0x9C3;
	s9 =	simm.s32 @!p2 $0x0;
	_ =	swait.ge @!p2 [sflag:s12], $0x4000  }
0x9d: {  	s13 =	sadd.s32 @!p5 s29, s18;
	s10 =	simm.s32 @!p6 $0x4;
	[sflag:s12] =	ssyncset.done @!p2 $0x0  }
0x9e: {  	s29 =	smov.u32 s5;
	[sflag:s12] =	ssyncadd.s32 @!p2 $0xFFFFC000;
	s12 =	sadd.s32 @!p5 $0x30000, s13  }
0x9f: {  	[hbm4b:s7+s9] =	stream.linear.scatter @!p2 [tilespmem:s11], [sflag:$0x5], $0x4000, $0x38;
	[tilespmem:$0x1FA80] =	vst v63  }
0xa0: {  	s5 =	sadd.s32 @!p5 $0xFFFFFE00, s30;
	s7 =	simm.s32 @!p5 $0x0;
	_ =	swait.ge @!p6 [sflag:s10], $0x4000  }
0xa1: {  	[sflag:s10] =	ssyncset.done @!p6 $0x0  }
0xa2: {  	[sflag:s10] =	ssyncadd.s32 @!p6 $0xFFFFC000  }
0xa3: {  	[tilespmem:s7], [sflag:$0x1] =	stream.linear.gather @!p5 [hbm4b:s5+s7], $0x80, $0x38;
	[tilespmem:$0x1FA80] =	vst v63  }
0xa4: {  	s9 =	simm.s32 @!p1 $0x3;
	s5 =	simm.s32 @!p5 $0x200  }
0xa5: {  	[tilespmem:s5], [sflag:$0x1] =	stream.linear.gather @!p5 [hbm4b:s12+s7], $0x4000, $0x38;
	[tilespmem:$0x1FA80] =	vst v63  }
0xa6: {  	s7 =	simm.s32 @!p1 $0x7;
	_ =	swait.ge @!p1 [sflag:s9], $0x80  }
0xa7: {  	[sflag:s9] =	ssyncset.done @!p1 $0x0  }
0xa8: {  	[sflag:s9] =	ssyncadd.s32 @!p1 $0xFFFFFF80  }
.Ltmp1:
0xa9: {  	_ =	swait.ge @!p1 [sflag:s9], $0x4000;
	(pc) =	sbr.rel @p4 .LBB2_4-.Ltmp1, $4  }
0xaa: {  	s31 =	sadd.s32 $0x60, s31;
	[sflag:s9] =	ssyncset.done @!p1 $0x0  }
0xab: {  	p5 =	sgt.u32 s31, $0x9C3;
	s5 =	simm.s32 @!p1 $0x80;
	[sflag:s9] =	ssyncadd.s32 @!p1 $0xFFFFC000  }
0xac: {  	[spmem:s1] =	stream.indirect.scatter.add.f32 @!p1 [tilespmem:s3], [sflag:$0x7], $0x80, s4, s5, $0xb8;
	[tilespmem:$0x1FA80] =	vst v63  }
0xad: {  	s30 =	sadd.s32 $0x600, s30;
	s4 =	sadd.s32 @!p5 s29, s18;
	_ =	swait.ge @!p1 [sflag:s7], $0x4000  }
0xae: {  	[sflag:s7] =	ssyncset.done @!p1 $0x0  }
0xaf: {  	s5 =	simm.s32 @!p2 $0x5;
	[sflag:s7] =	ssyncadd.s32 @!p1 $0xFFFFC000  }
0xb0: {  	[hbm4b:s6+s21] =	stream.linear.scatter @!p1 [tilespmem:s3], [sflag:$0x6], $0x4000, $0x38;
	[tilespmem:$0x1FA80] =	vst v63  }
0xb1: {  	_ =	swait.ge @!p2 [sflag:s5], $0x4000  }
0xb2: {  	s13 =	sadd.s32 $0xFFFFFF80, s31;
	[sflag:s5] =	ssyncset.done @!p2 $0x0  }
0xb3: {  	s7 =	simm.s32 @!p3 $0x0;
	s3 =	simm.s32 @!p3 $0x80;
	[sflag:s5] =	ssyncadd.s32 @!p2 $0xFFFFC000  }
0xb4: {  	[tilespmem:s3], [sflag:$0x2] =	stream.linear.gather @!p3 [hbm4b:s17+s7], $0x80, $0x38;
	[tilespmem:$0x1FA80] =	vst v63  }
0xb5: {  	s0 =	sadd.s32 @!p3 $0x40000, s0;
	p1 =	sgt.u32 s13, $0x9C3;
	s3 =	simm.s32 @!p3 $0x4200  }
0xb6: {  	[tilespmem:s3], [sflag:$0x2] =	stream.linear.gather @!p3 [hbm4b:s0+s7], $0x4000, $0x38;
	[tilespmem:$0x1FA80] =	vst v63  }
0xb7: {  	s0 =	simm.s32 @!p1 $0x1  }
0xb8: {  	_ =	swait.ge @!p1 [sflag:s0], $0x80  }
0xb9: {  	[sflag:s0] =	ssyncset.done @!p1 $0x0  }
0xba: {  	[sflag:s0] =	ssyncadd.s32 @!p1 $0xFFFFFF80  }
0xbb: {  	_ =	swait.ge @!p1 [sflag:s0], $0x4000  }
0xbc: {  	s6 =	simm.s32 @!p1 $0x0;
	s5 =	simm.s32 @!p1 $0x200;
	[sflag:s0] =	ssyncset.done @!p1 $0x0  }
0xbd: {  	s3 =	simm.s32 @!p1 $0x7;
	[sflag:s0] =	ssyncadd.s32 @!p1 $0xFFFFC000;
	s0 =	simm.s32 @!p1 $0x80  }
0xbe: {  	[spmem:s1] =	stream.indirect.scatter.add.f32 @!p1 [tilespmem:s5], [sflag:$0x7], $0x80, s6, s0, $0xb8;
	[tilespmem:$0x1FA80] =	vst v63  }
0xbf: {  	p4 =	seq.s32 s29, $0x0;
	_ =	swait.ge @!p1 [sflag:s3], $0x4000  }
0xc0: {  	s22 =	sadd.s32 $0xFFFFFFA0, s31;
	s21 =	sadd.s32 $0xFFFFFFC0, s31;
	[sflag:s3] =	ssyncset.done @!p1 $0x0  }
0xc1: {  	s7 =	simm.s32 @!p4 $0x6;
	s0 =	sadd.s32 @!p1 s29, s20;
	[sflag:s3] =	ssyncadd.s32 @!p1 $0xFFFFC000  }
0xc2: {  	[hbm4b:s0+s6] =	stream.linear.scatter @!p1 [tilespmem:s5], [sflag:$0x4], $0x4000, $0x38;
	[tilespmem:$0x1FA80] =	vst v63  }
0xc3: {  	p2 =	sgt.u32 s21, $0x9C3;
	p3 =	sgt.u32 s22, $0x9C3;
	_ =	swait.ge @!p4 [sflag:s7], $0x4000  }
0xc4: {  	s3 =	sadd.s32 @!p2 s29, s18;
	s5 =	simm.s32 @!p2 $0x0;
	[sflag:s7] =	ssyncset.done @!p4 $0x0  }
0xc5: {  	s0 =	simm.s32 @!p2 $0x100;
	s6 =	sadd.s32 @!p2 $0xFFFFFC00, s30;
	[sflag:s7] =	ssyncadd.s32 @!p4 $0xFFFFC000  }
0xc6: {  	[tilespmem:s0], [sflag:$0x3] =	stream.linear.gather @!p2 [hbm4b:s6+s5], $0x80, $0x38;
	[tilespmem:$0x1FA80] =	vst v63  }
0xc7: {  	s3 =	sadd.s32 @!p2 $0x20000, s3;
	s7 =	simm.s32 @!p3 $0x2;
	s6 =	simm.s32 @!p2 $0x8200  }
0xc8: {  	[tilespmem:s6], [sflag:$0x3] =	stream.linear.gather @!p2 [hbm4b:s3+s5], $0x4000, $0x38;
	[tilespmem:$0x1FA80] =	vst v63  }
0xc9: {  	_ =	swait.ge @!p3 [sflag:s7], $0x80  }
0xca: {  	[sflag:s7] =	ssyncset.done @!p3 $0x0  }
0xcb: {  	[sflag:s7] =	ssyncadd.s32 @!p3 $0xFFFFFF80  }
0xcc: {  	_ =	swait.ge @!p3 [sflag:s7], $0x4000  }
0xcd: {  	s9 =	simm.s32 @!p3 $0x4200;
	[sflag:s7] =	ssyncset.done @!p3 $0x0  }
0xce: {  	s10 =	simm.s32 @!p3 $0x7;
	s3 =	simm.s32 @!p3 $0x80;
	[sflag:s7] =	ssyncadd.s32 @!p3 $0xFFFFC000  }
0xcf: {  	[spmem:s1] =	stream.indirect.scatter.add.f32 @!p3 [tilespmem:s9], [sflag:$0x7], $0x80, s3, s3, $0xb8;
	[tilespmem:$0x1FA80] =	vst v63  }
0xd0: {  	s31 =	sadd.s32 $0xFFFFFFE0, s31;
	_ =	swait.ge @!p3 [sflag:s10], $0x4000  }
0xd1: {  	s12 =	simm.s32 @!p1 $0x4;
	s3 =	sadd.s32 @!p3 s29, s20;
	[sflag:s10] =	ssyncset.done @!p3 $0x0  }
0xd2: {  	s11 =	simm.s32 @!p3 $0x0;
	s3 =	sadd.s32 @!p3 $0x10000, s3;
	[sflag:s10] =	ssyncadd.s32 @!p3 $0xFFFFC000  }
0xd3: {  	[hbm4b:s3+s11] =	stream.linear.scatter @!p3 [tilespmem:s9], [sflag:$0x5], $0x4000, $0x38;
	[tilespmem:$0x1FA80] =	vst v63  }
0xd4: {  	p4 =	sgt.u32 s31, $0x9C3;
	_ =	swait.ge @!p1 [sflag:s12], $0x4000  }
0xd5: {  	s7 =	sadd.s32 @!p4 $0xFFFFFE00, s30;
	[sflag:s12] =	ssyncset.done @!p1 $0x0  }
0xd6: {  	s3 =	sadd.s32 @!p4 s29, s18;
	s9 =	simm.s32 @!p4 $0x0;
	[sflag:s12] =	ssyncadd.s32 @!p1 $0xFFFFC000  }
0xd7: {  	[tilespmem:s9], [sflag:$0x1] =	stream.linear.gather @!p4 [hbm4b:s7+s9], $0x80, $0x38;
	[tilespmem:$0x1FA80] =	vst v63  }
0xd8: {  	s10 =	simm.s32 @!p2 $0x3;
	s3 =	sadd.s32 @!p4 $0x30000, s3;
	s7 =	simm.s32 @!p4 $0x200  }
0xd9: {  	[tilespmem:s7], [sflag:$0x1] =	stream.linear.gather @!p4 [hbm4b:s3+s9], $0x4000, $0x38;
	[tilespmem:$0x1FA80] =	vst v63  }
0xda: {  	_ =	swait.ge @!p2 [sflag:s10], $0x80  }
0xdb: {  	[sflag:s10] =	ssyncset.done @!p2 $0x0  }
0xdc: {  	[sflag:s10] =	ssyncadd.s32 @!p2 $0xFFFFFF80  }
0xdd: {  	_ =	swait.ge @!p2 [sflag:s10], $0x4000  }
0xde: {  	[sflag:s10] =	ssyncset.done @!p2 $0x0  }
0xdf: {  	s3 =	simm.s32 @!p2 $0x7;
	s7 =	simm.s32 @!p2 $0x80;
	[sflag:s10] =	ssyncadd.s32 @!p2 $0xFFFFC000  }
0xe0: {  	[spmem:s1] =	stream.indirect.scatter.add.f32 @!p2 [tilespmem:s6], [sflag:$0x7], $0x80, s0, s7, $0xb8;
	[tilespmem:$0x1FA80] =	vst v63  }
0xe1: {  	_ =	swait.ge @!p2 [sflag:s3], $0x4000  }
0xe2: {  	s0 =	sadd.s32 @!p2 s29, s20;
	[sflag:s3] =	ssyncset.done @!p2 $0x0  }
0xe3: {  	s7 =	simm.s32 @!p3 $0x5;
	s0 =	sadd.s32 @!p2 $0x20000, s0;
	[sflag:s3] =	ssyncadd.s32 @!p2 $0xFFFFC000  }
0xe4: {  	[hbm4b:s0+s5] =	stream.linear.scatter @!p2 [tilespmem:s6], [sflag:$0x6], $0x4000, $0x38;
	[tilespmem:$0x1FA80] =	vst v63  }
0xe5: {  	_ =	swait.ge @!p3 [sflag:s7], $0x4000  }
0xe6: {  	p1 =	por p5, p5;
	[sflag:s7] =	ssyncset.done @!p3 $0x0  }
0xe7: {  	s3 =	simm.s32 @!p1 $0x0;
	s0 =	simm.s32 @!p1 $0x80;
	[sflag:s7] =	ssyncadd.s32 @!p3 $0xFFFFC000  }
0xe8: {  	[tilespmem:s0], [sflag:$0x2] =	stream.linear.gather @!p1 [hbm4b:s30+s3], $0x80, $0x38;
	[tilespmem:$0x1FA80] =	vst v63  }
0xe9: {  	s0 =	sadd.s32 @!p1 $0x40000, s4;
	s4 =	simm.s32 @!p1 $0x4200  }
0xea: {  	[tilespmem:s4], [sflag:$0x2] =	stream.linear.gather @!p1 [hbm4b:s0+s3], $0x4000, $0x38;
	[tilespmem:$0x1FA80] =	vst v63  }
0xeb: {  	s0 =	simm.s32 @p0 $0x1FC7;
	[bflag:$0x0] =	sbarrier.arrive $0xFFFF  }
0xec: {  	[hbm:s15], [sflag:s0] =	dma.local @p0 [spmem:s25], $0x2800  }
0xed: {  	s0 =	simm.s32 @p0 $0x7  }
0xee: {  	s28 =	sadd.s32 $0x1, s28;
	s3 =	stileid.u32;
	_ =	swait.ge @p0 [sflag:s0], $0x2800  }
0xef: {  	p1 =	sne.s32 s28, s16;
	s3 =	sshll.u32 @!p0 s3, $0x6;
	[sflag:s0] =	ssyncset.done @p0 $0x0  }
0xf0: {  	[sflag:s0] =	ssyncadd.s32 @p0 $0xFFFFD800;
	s0 =	sor.u32 @!p0 $0x1C07, s3;
	s3 =	sshrl.u32 @!p0 s8, $0x3  }
0xf1: {  	[hbm:s14], [sflag:s0] =	dma.local @!p0 [spmem:s3], $0x2700  }
.Ltmp2:
0xf2: {  	_ = 	snop;
	(pc) =	sbr.rel @p1 .LBB2_1-.Ltmp2, $4  }
0xf3: {  	s0 =	simm.s32 @!p0 $0x7  }
0xf4: {  	_ =	swait.ge @!p0 [sflag:s0], $0x2700  }
0xf5: {  	[sflag:s0] =	ssyncset.done @!p0 $0x0  }
0xf6: {  	[sflag:s0] =	ssyncadd.s32 @!p0 $0xFFFFD900  }
0xf7: {  	_ =	sfence.sel $0x180000  }
0xf8: {  	[bflag:$0x0] =	sbarrier.arrive $0xFFFF  }
0xf9: {  	_ =	strace $0x90000047  }
0xfa: {  	s0 =	stileid.u32;
	[bflag:$0x2] =	sbarrier.arrive $0xFFFF  }
0xfb: {  	p0 =	sne.s32 s0, $0x0;
	s0 =	rddreg [dreg:$0x5]  }
0xfc: {  	s0 =	sadd.s32 @!p0 $0x100000, s0  }
0xfd: {  	[sflag:s0] =	ssyncadd.tile.s32 @!p0 $0x1;
	_ =	shalt  }
.Lfunc_end2:
_tile_overlayer_lowered:
.L_overlay_start_2:
0xfe: {  	(tag) =	ssettag $0x2  }
0xff: {  	s0 =	rddreg [dreg:$0x0];
	s2 =	stileid.u32  }
0x100: {  	s1 =	rddreg [dreg:$0x1];
	p0 =	sne.s32 s2, $0x0  }
0x101: {  	s3 =	rddreg [dreg:$0x2];
	[bflag:$0x3] =	sbarrier.arrive $0xFFFF;
	s2 =	simm.s32 @!p0 $0x1C07  }
0x102: {  	[timem:s3], [sflag:s2] =	dma.local @!p0 [hbm:s0], s1  }
0x103: {  	s0 =	simm.s32 @!p0 $0x7  }
0x104: {  	_ =	swait.ge @!p0 [sflag:s0], s1  }
0x105: {  	s1 =	ssub.s32 @!p0 $0x0, s1;
	[sflag:s0] =	ssyncset.done @!p0 $0x0  }
0x106: {  	[sflag:s0] =	ssyncadd.s32 @!p0 s1  }
0x107: {  	[bflag:$0x3] =	sbarrier.arrive $0xFFFF  }
0x108: {  	_ =	shalt  }

</sc_bundles>
